<compile_context>
chip_gen: v7x
topology: tpu7x:2x2x1
jax: 0.10.2.dev20260603
libtpu: 0.0.44.dev20260713+nightly
codegen_flags: <defaults>
</compile_context>

<pallas_src>
import functools
import math

import jax
import jax.numpy as jnp
from jax import lax
from jax.experimental import pallas as pl
from jax.experimental.pallas import tpu as pltpu
from jax.experimental.pallas import tpu_sc as plsc

_B, _S, _D, _H, _E, _DFF = 2, 2048, 768, 12, 64, 1536
_N = _B * _S
_DH = _D // _H
_EPS = 1.1920929e-07
_BT = 256
_BQ = 512
_TB = 64
_P = -(-(_N + _E * (_TB - 1)) // 1024) * 1024
_NT = _P // _TB



def _qkv_body(x_ref, nw_ref, w_ref, b_ref, o_ref):
    x = x_ref[...]
    ms = jnp.mean(x * x, axis=1, keepdims=True)
    h = x * lax.rsqrt(ms + _EPS) * nw_ref[...]
    o_ref[...] = lax.dot_general(
        h, w_ref[...], (((1,), (1,)), ((), ())),
        preferred_element_type=jnp.float32) + b_ref[...]


def _qkv_call(xf, nw, w, b):
    grid = (_N // _BT,)
    return pl.pallas_call(
        _qkv_body,
        grid=grid,
        in_specs=[
            pl.BlockSpec((_BT, _D), lambda t: (t, 0)),
            pl.BlockSpec((1, _D), lambda t: (0, 0)),
            pl.BlockSpec((3 * _D, _D), lambda t: (0, 0)),
            pl.BlockSpec((1, 3 * _D), lambda t: (0, 0)),
        ],
        out_specs=pl.BlockSpec((_BT, 3 * _D), lambda t: (t, 0)),
        out_shape=jax.ShapeDtypeStruct((_N, 3 * _D), jnp.float32),
    )(xf, nw, w, b)


def _attn_body(q_ref, k_ref, v_ref, o_ref):
    q = q_ref[0, 0]
    k = k_ref[0, 0]
    v = v_ref[0, 0]
    s = lax.dot_general(q, k, (((1,), (1,)), ((), ())),
                        preferred_element_type=jnp.float32)
    s = s * (1.0 / math.sqrt(_DH))
    m = jnp.max(s, axis=1, keepdims=True)
    p = jnp.exp(s - m)
    den = jnp.sum(p, axis=1, keepdims=True)
    o_ref[0, 0] = lax.dot_general(p, v, (((1,), (0,)), ((), ())),
                                  preferred_element_type=jnp.float32) / den


def _attn_call(q, k, v):
    grid = (_B, _H, _S // _BQ)
    qspec = pl.BlockSpec((1, 1, _BQ, _DH), lambda b, h, t: (b, h, t, 0))
    kvspec = pl.BlockSpec((1, 1, _S, _DH), lambda b, h, t: (b, h, 0, 0))
    return pl.pallas_call(
        _attn_body,
        grid=grid,
        in_specs=[qspec, kvspec, kvspec],
        out_specs=qspec,
        out_shape=jax.ShapeDtypeStruct((_B, _H, _S, _DH), jnp.float32),
    )(q, k, v)


def _post_body(o_ref, x_ref, wo_ref, bo_ref, fw_ref, rw_ref, rb_ref,
               x1_ref, h2_ref, eid_ref, lb_ref, acc_ref):
    t = pl.program_id(0)
    nt = pl.num_programs(0)
    o = o_ref[...]
    x1 = x_ref[...] + bo_ref[...] + lax.dot_general(
        o, wo_ref[...], (((1,), (1,)), ((), ())),
        preferred_element_type=jnp.float32)
    x1_ref[...] = x1
    ms = jnp.mean(x1 * x1, axis=1, keepdims=True)
    h2 = x1 * lax.rsqrt(ms + _EPS) * fw_ref[...]
    h2_ref[...] = h2
    logits = lax.dot_general(h2, rw_ref[...], (((1,), (1,)), ((), ())),
                                                          preferred_element_type=jnp.float32) + rb_ref[...]
    mx = jnp.max(logits, axis=1, keepdims=True)
    e = jnp.exp(logits - mx)
    probs = e / jnp.sum(e, axis=1, keepdims=True)
    eid_ref[...] = jnp.argmax(logits, axis=1).astype(jnp.int32)[:, None]
    psum = jnp.sum(probs, axis=0, keepdims=True)

    @pl.when(t == 0)
    def _():
        acc_ref[...] = psum

    @pl.when(t > 0)
    def _():
        acc_ref[...] = acc_ref[...] + psum

    @pl.when(t == nt - 1)
    def _():
        mean = acc_ref[...] * (1.0 / _N)
        lb_ref[...] = _E * jnp.sum(mean * jnp.log(mean), axis=1,
                                   keepdims=True)


def _post_call(of, xf, wo, bo, fw, rw, rb):
    grid = (_N // _BT,)
    tok = pl.BlockSpec((_BT, _D), lambda t: (t, 0))
    full = lambda shape: pl.BlockSpec(shape, lambda t: tuple(0 for _ in shape))
    return pl.pallas_call(
        _post_body,
        grid=grid,
        in_specs=[
            tok, tok,
            full((_D, _D)),
            full((1, _D)),
            full((1, _D)),
            full((_E, _D)),
            full((1, _E)),
        ],
        out_specs=[
            tok, tok,
            pl.BlockSpec((_BT, 1), lambda t: (t, 0)),
            pl.BlockSpec((1, 1), lambda t: (0, 0)),
        ],
        out_shape=[
            jax.ShapeDtypeStruct((_N, _D), jnp.float32),
            jax.ShapeDtypeStruct((_N, _D), jnp.float32),
            jax.ShapeDtypeStruct((_N, 1), jnp.int32),
            jax.ShapeDtypeStruct((1, 1), jnp.float32),
        ],
        scratch_shapes=[pltpu.VMEM((1, _E), jnp.float32)],
    )(of, xf, wo, bo, fw, rw, rb)


def _expert_body(te_ref, tv_ref, x_ref, w1_ref, b1_ref, w2_ref, b2_ref, o_ref):
    t = pl.program_id(0)

    @pl.when(tv_ref[t] != 0)
    def _():
        x = x_ref[...]
        h = lax.dot_general(x, w1_ref[0], (((1,), (1,)), ((), ())),
                            preferred_element_type=jnp.float32) + b1_ref[0]
        h = 0.5 * h * (1.0 + lax.erf(h * (1.0 / math.sqrt(2.0))))
        o_ref[...] = lax.dot_general(h, w2_ref[0], (((1,), (1,)), ((), ())),
                                     preferred_element_type=jnp.float32) + b2_ref[0]


def _expert_call(te, tv, x_pad, w1, b1, w2, b2):
    grid_spec = pltpu.PrefetchScalarGridSpec(
        num_scalar_prefetch=2,
        grid=(_NT,),
        in_specs=[
            pl.BlockSpec((_TB, _D), lambda t, te, tv: (t, 0)),
            pl.BlockSpec((1, _DFF, _D), lambda t, te, tv: (te[t], 0, 0)),
            pl.BlockSpec((1, 1, _DFF), lambda t, te, tv: (te[t], 0, 0)),
            pl.BlockSpec((1, _D, _DFF), lambda t, te, tv: (te[t], 0, 0)),
            pl.BlockSpec((1, 1, _D), lambda t, te, tv: (te[t], 0, 0)),
        ],
        out_specs=pl.BlockSpec((_TB, _D), lambda t, te, tv: (t, 0)),
    )
    return pl.pallas_call(
        _expert_body,
        grid_spec=grid_spec,
        out_shape=jax.ShapeDtypeStruct((_P, _D), jnp.float32),
    )(te, tv, x_pad, w1, b1.reshape(_E, 1, _DFF), w2, b2.reshape(_E, 1, _D))


def _add_body(a_ref, b_ref, o_ref):
    o_ref[...] = a_ref[...] + b_ref[...]


def _add_call(a, b):
    tok = pl.BlockSpec((_BT, _D), lambda t: (t, 0))
    return pl.pallas_call(
        _add_body,
        grid=(_N // _BT,),
        in_specs=[tok, tok],
        out_specs=tok,
        out_shape=jax.ShapeDtypeStruct((_N, _D), jnp.float32),
    )(a, b)



def _sc_gather(table, idx):
    rows, d = idx.shape[0], table.shape[1]
    info = plsc.get_sparse_core_info()
    nw = info.num_cores * info.num_subcores
    rpw = rows // nw
    ch = 32 if rpw % 32 == 0 else rpw
    nch = rpw // ch
    nb = min(4, nch)
    mesh = plsc.VectorSubcoreMesh(core_axis_name="c", subcore_axis_name="s")

    @functools.partial(
        pl.kernel,
        mesh=mesh,
        out_type=jax.ShapeDtypeStruct((rows, d), jnp.float32),
        scratch_types=(
            [pltpu.VMEM((rpw,), jnp.int32)]
            + [pltpu.VMEM((ch, d), jnp.float32) for _ in range(nb)]
            + [pltpu.SemaphoreType.DMA for _ in range(nb)]
        ),
    )
    def k(table_hbm, idx_hbm, out_hbm, idx_v, *rest):
        bufs, sems = rest[:nb], rest[nb:]
        wid = lax.axis_index("s") * info.num_cores + lax.axis_index("c")
        base = wid * rpw
        pltpu.sync_copy(idx_hbm.at[pl.ds(base, rpw)], idx_v)
        copies = [None] * nb
        for c in range(nch):
            b = c % nb
            if c >= nb:
                copies[b].wait()
                pltpu.sync_copy(bufs[b],
                                out_hbm.at[pl.ds(base + (c - nb) * ch, ch)])
            copies[b] = pltpu.async_copy(
                table_hbm.at[idx_v.at[pl.ds(c * ch, ch)]], bufs[b], sems[b])
        for c in range(max(0, nch - nb), nch):
            b = c % nb
            copies[b].wait()
            pltpu.sync_copy(bufs[b], out_hbm.at[pl.ds(base + c * ch, ch)])

    return k(table, idx)



def kernel(x, attn_norm_w, in_proj_w, in_proj_b, out_proj_w, out_proj_b,
           ffn_norm_w, router_w, router_b, expert_w1, expert_b1,
           expert_w2, expert_b2):
    xf = x.reshape(_N, _D)

    qkv = _qkv_call(xf, attn_norm_w.reshape(1, _D), in_proj_w,
                    in_proj_b.reshape(1, 3 * _D))
    q, k, v = jnp.split(qkv, 3, axis=-1)

    def to_heads(t):
        return t.reshape(_B, _S, _H, _DH).transpose(0, 2, 1, 3)

    o = _attn_call(to_heads(q), to_heads(k), to_heads(v))
    of = o.transpose(0, 2, 1, 3).reshape(_N, _D)

    x1, h2, eid2, lb = _post_call(
        of, xf, out_proj_w, out_proj_b.reshape(1, _D),
        ffn_norm_w.reshape(1, _D), router_w, router_b.reshape(1, _E))
    eid = eid2[:, 0]

    sort_idx = jnp.argsort(eid).astype(jnp.int32)
    counts = jnp.bincount(eid, length=_E).astype(jnp.int32)
    offsets = jnp.cumsum(counts) - counts
    tiles_per_e = (counts + _TB - 1) // _TB
    cum_tiles = jnp.cumsum(tiles_per_e)
    total_tiles = cum_tiles[_E - 1]
    tile_start_e = cum_tiles - tiles_per_e
    pstart = tile_start_e * _TB

    tidx = jnp.arange(_NT, dtype=jnp.int32)
    te_raw = jnp.searchsorted(cum_tiles, tidx, side="right").astype(jnp.int32)
    tv = (tidx < total_tiles).astype(jnp.int32)
    te_fill = te_raw[jnp.maximum(total_tiles - 1, 0)]
    te = jnp.where(tv != 0, jnp.minimum(te_raw, _E - 1), te_fill)

    slot = jnp.arange(_P, dtype=jnp.int32)
    slot_e = jnp.minimum(te_raw[slot // _TB], _E - 1)
    kk = slot - pstart[slot_e]
    slot_valid = (kk >= 0) & (kk < counts[slot_e]) & (slot < total_tiles * _TB)
    src_rank = jnp.clip(offsets[slot_e] + kk, 0, _N - 1)
    gidx = jnp.where(slot_valid, sort_idx[src_rank], 0).astype(jnp.int32)

    rank = jnp.arange(_N, dtype=jnp.int32)
    pos = pstart[eid[sort_idx]] + (rank - offsets[eid[sort_idx]])
    inv = jnp.zeros((_N,), jnp.int32).at[sort_idx].set(pos.astype(jnp.int32))

    x_pad = _sc_gather(h2, gidx)
    y_pad = _expert_call(te, tv, x_pad, expert_w1, expert_b1,
                         expert_w2, expert_b2)
    ffn = _sc_gather(y_pad, inv)

    x2 = _add_call(x1, ffn)
    return x2.reshape(_B, _S, _D), lb[0, 0]

# --- scband reference (transcript-rebuilt; emitter-appended) ---
"""Pipeline reference for scband-multi-branch-transformer-block-81415400063492 (READ-ONLY COPY).

The authoritative reference and input builder live on the scoring server;
editing this copy changes nothing except your own understanding.
"""

import jax, jax.numpy as jnp
import numpy as np
import math

B, S, D, H, E, DFF, TOPK = 2, 2048, 768, 12, 64, 1536, 1
EPS = 1.1920929e-07


def setup_inputs(seed: int = 0):
    key = jax.random.key(seed)
    ks = jax.random.split(key, 8)

    def nrm(k, shape):
        return jax.random.normal(k, shape, dtype=jnp.float32) * 0.02

    return {
        "x": jax.random.normal(ks[0], (B, S, D), dtype=jnp.float32),
        "attn_norm_w": jnp.ones((D,), jnp.float32),
        "in_proj_w": nrm(ks[1], (3 * D, D)),
        "in_proj_b": jnp.zeros((3 * D,), jnp.float32),
        "out_proj_w": nrm(ks[2], (D, D)),
        "out_proj_b": jnp.zeros((D,), jnp.float32),
        "ffn_norm_w": jnp.ones((D,), jnp.float32),
        "router_w": nrm(ks[3], (E, D)),
        "router_b": jnp.zeros((E,), jnp.float32),
        "expert_w1": nrm(ks[4], (E, DFF, D)),
        "expert_b1": jnp.zeros((E, DFF), jnp.float32),
        "expert_w2": nrm(ks[5], (E, D, DFF)),
        "expert_b2": jnp.zeros((E, D), jnp.float32),
    }


def rmsnorm(h, w):
    return h * jax.lax.rsqrt(jnp.mean(h * h, axis=-1, keepdims=True) + EPS) * w


def reference(x, attn_norm_w, in_proj_w, in_proj_b, out_proj_w, out_proj_b,
              ffn_norm_w, router_w, router_b, expert_w1, expert_b1,
              expert_w2, expert_b2):
    dh = D // H
    # Attention block (pre-norm RMSNorm, torch nn.MultiheadAttention semantics)
    residual = x
    h = rmsnorm(x, attn_norm_w)
    qkv = h @ in_proj_w.T + in_proj_b
    q, k, v = jnp.split(qkv, 3, axis=-1)

    def to_heads(t):
        return t.reshape(B, S, H, dh).transpose(0, 2, 1, 3)

    q, k, v = to_heads(q), to_heads(k), to_heads(v)
    scores = jnp.einsum("bhqd,bhkd->bhqk", q, k) / math.sqrt(dh)
    attn = jax.nn.softmax(scores, axis=-1)
    o = jnp.einsum("bhqk,bhkd->bhqd", attn, v)
    o = o.transpose(0, 2, 1, 3).reshape(B, S, D)
    o = o @ out_proj_w.T + out_proj_b
    x1 = residual + o

    # MoE FFN block
    h2 = rmsnorm(x1, ffn_norm_w)
    x_flat = h2.reshape(-1, D)
    logits = x_flat @ router_w.T + router_b
    probs = jax.nn.softmax(logits, axis=-1)
    topk_probs, topk_idx = jax.lax.top_k(probs, TOPK)
    topk_probs = topk_probs / jnp.sum(topk_probs, axis=-1, keepdims=True)
    output = jnp.zeros_like(x_flat)
    for i in range(E):
        mask = jnp.any(topk_idx == i, axis=-1)
        w = jnp.zeros((x_flat.shape[0],), jnp.float32)
        for kk in range(TOPK):
            m = topk_idx[:, kk] == i
            w = jnp.where(m, topk_probs[:, kk], w)
        he = jax.nn.gelu(x_flat @ expert_w1[i].T + expert_b1[i], approximate=False)
        oe = he @ expert_w2[i].T + expert_b2[i]
        output = jnp.where(mask[:, None], output + w[:, None] * oe, output)
    ffn_out = output.reshape(B, S, D)
    mean_probs = jnp.mean(probs, axis=0)
    lb_loss = E * jnp.sum(mean_probs * jnp.log(mean_probs))
    x2 = x1 + ffn_out
    return (x2, lb_loss)

if __name__ == "__main__":
    import jax
    _d = setup_inputs()
    print(jax.jit(kernel)(*tuple(_d.values())))

</pallas_src>

<mosaic_0001>
#map = affine_map<(d0, d1) -> (0, 0)>
#map1 = affine_map<(d0, d1) -> (0)>
module attributes {stable_mosaic.version = 14 : i64} {
  func.func @k(%arg0: i32, %arg1: i32, %arg2: memref<4096x768xf32, #tpu.memory_space<hbm>>, %arg3: memref<8192xi32, #tpu.memory_space<hbm>>, %arg4: memref<8192x768xf32, #tpu.memory_space<hbm>>, %arg5: memref<256xi32, #tpu.memory_space<vmem>>, %arg6: memref<32x768xf32, #tpu.memory_space<vmem>>, %arg7: memref<32x768xf32, #tpu.memory_space<vmem>>, %arg8: memref<32x768xf32, #tpu.memory_space<vmem>>, %arg9: memref<32x768xf32, #tpu.memory_space<vmem>>, %arg10: memref<!tpu.dma_semaphore, #tpu.memory_space<semaphore_mem>>, %arg11: memref<!tpu.dma_semaphore, #tpu.memory_space<semaphore_mem>>, %arg12: memref<!tpu.dma_semaphore, #tpu.memory_space<semaphore_mem>>, %arg13: memref<!tpu.dma_semaphore, #tpu.memory_space<semaphore_mem>>) attributes {dimension_semantics = [#tpu.dimension_semantics<core_parallel>, #tpu.dimension_semantics<subcore_parallel>], iteration_bounds = array<i64: 2, 16>, scalar_prefetch = 0 : i64, scratch_operands = 9 : i64, tpu.core_type = #tpu.core_type<sc_vector_subcore>, window_params = [{transform_indices = #map}, {transform_indices = #map1}, {transform_indices = #map}]} {
    %mul3A = arith.constant 2 : i32
    %mul3A_0 = arith.muli %arg1, %mul3A : i32
    %add3A = arith.addi %mul3A_0, %arg0 : i32
    %mul3A_1 = arith.constant 256 : i32
    %mul3A_2 = arith.muli %add3A, %mul3A_1 : i32
    "tpu.region"() ({
      %run_scoped3A = tpu.sem_alloc : memref<!tpu.dma_semaphore, #tpu.memory_space<semaphore_mem>>
      %dma_start3A_97 = tpu.memref_slice %arg3[%mul3A_2] : memref<8192xi32, #tpu.memory_space<hbm>> -> memref<256xi32, #tpu.memory_space<hbm>>
      %dma_start3A_98 = tpu.memref_slice %arg3[%mul3A_2] : memref<8192xi32, #tpu.memory_space<hbm>> -> memref<256xi32, #tpu.memory_space<hbm>>
      tpu.enqueue_dma source(%dma_start3A_98 : memref<256xi32, #tpu.memory_space<hbm>>) target(%arg5 : memref<256xi32, #tpu.memory_space<vmem>>) target_semaphore(%run_scoped3A : memref<!tpu.dma_semaphore, #tpu.memory_space<semaphore_mem>>)
      %dma_wait3A_99 = tpu.memref_slice %arg3[%mul3A_2] : memref<8192xi32, #tpu.memory_space<hbm>> -> memref<256xi32, #tpu.memory_space<hbm>>
      %dma_wait3A_100 = tpu.memref_slice %arg3[%mul3A_2] : memref<8192xi32, #tpu.memory_space<hbm>> -> memref<256xi32, #tpu.memory_space<hbm>>
      tpu.wait_dma2 semaphore(%run_scoped3A : memref<!tpu.dma_semaphore, #tpu.memory_space<semaphore_mem>>) src(%dma_wait3A_100 : memref<256xi32, #tpu.memory_space<hbm>>) dst(%arg5 : memref<256xi32, #tpu.memory_space<vmem>>)
      tpu.yield
    }) : () -> ()
    %dma_start3A = arith.constant 0 : i32
    %dma_start3A_3 = tpu.memref_slice %arg5[%dma_start3A] : memref<256xi32, #tpu.memory_space<vmem>> -> memref<32xi32, #tpu.memory_space<vmem>>
    %dma_start3A_4 = arith.constant 0 : i32
    %dma_start3A_5 = arith.constant 0 : i32
    %dma_start3A_6 = tpu.memref_slice %arg2[%dma_start3A_4, %dma_start3A_5] : memref<4096x768xf32, #tpu.memory_space<hbm>> -> memref<4096x768xf32, #tpu.memory_space<hbm>>
    tpu.enqueue_indirect_dma source(%dma_start3A_6 : memref<4096x768xf32, #tpu.memory_space<hbm>>) target(%arg6 : memref<32x768xf32, #tpu.memory_space<vmem>>) offsets(%dma_start3A_3 : memref<32xi32, #tpu.memory_space<vmem>>) semaphore(%arg10 : memref<!tpu.dma_semaphore, #tpu.memory_space<semaphore_mem>>)
    %dma_start3A_7 = arith.constant 32 : i32
    %dma_start3A_8 = tpu.memref_slice %arg5[%dma_start3A_7] : memref<256xi32, #tpu.memory_space<vmem>> -> memref<32xi32, #tpu.memory_space<vmem>>
    %dma_start3A_9 = arith.constant 0 : i32
    %dma_start3A_10 = arith.constant 0 : i32
    %dma_start3A_11 = tpu.memref_slice %arg2[%dma_start3A_9, %dma_start3A_10] : memref<4096x768xf32, #tpu.memory_space<hbm>> -> memref<4096x768xf32, #tpu.memory_space<hbm>>
    tpu.enqueue_indirect_dma source(%dma_start3A_11 : memref<4096x768xf32, #tpu.memory_space<hbm>>) target(%arg7 : memref<32x768xf32, #tpu.memory_space<vmem>>) offsets(%dma_start3A_8 : memref<32xi32, #tpu.memory_space<vmem>>) semaphore(%arg11 : memref<!tpu.dma_semaphore, #tpu.memory_space<semaphore_mem>>)
    %dma_start3A_12 = arith.constant 64 : i32
    %dma_start3A_13 = tpu.memref_slice %arg5[%dma_start3A_12] : memref<256xi32, #tpu.memory_space<vmem>> -> memref<32xi32, #tpu.memory_space<vmem>>
    %dma_start3A_14 = arith.constant 0 : i32
    %dma_start3A_15 = arith.constant 0 : i32
    %dma_start3A_16 = tpu.memref_slice %arg2[%dma_start3A_14, %dma_start3A_15] : memref<4096x768xf32, #tpu.memory_space<hbm>> -> memref<4096x768xf32, #tpu.memory_space<hbm>>
    tpu.enqueue_indirect_dma source(%dma_start3A_16 : memref<4096x768xf32, #tpu.memory_space<hbm>>) target(%arg8 : memref<32x768xf32, #tpu.memory_space<vmem>>) offsets(%dma_start3A_13 : memref<32xi32, #tpu.memory_space<vmem>>) semaphore(%arg12 : memref<!tpu.dma_semaphore, #tpu.memory_space<semaphore_mem>>)
    %dma_start3A_17 = arith.constant 96 : i32
    %dma_start3A_18 = tpu.memref_slice %arg5[%dma_start3A_17] : memref<256xi32, #tpu.memory_space<vmem>> -> memref<32xi32, #tpu.memory_space<vmem>>
    %dma_start3A_19 = arith.constant 0 : i32
    %dma_start3A_20 = arith.constant 0 : i32
    %dma_start3A_21 = tpu.memref_slice %arg2[%dma_start3A_19, %dma_start3A_20] : memref<4096x768xf32, #tpu.memory_space<hbm>> -> memref<4096x768xf32, #tpu.memory_space<hbm>>
    tpu.enqueue_indirect_dma source(%dma_start3A_21 : memref<4096x768xf32, #tpu.memory_space<hbm>>) target(%arg9 : memref<32x768xf32, #tpu.memory_space<vmem>>) offsets(%dma_start3A_18 : memref<32xi32, #tpu.memory_space<vmem>>) semaphore(%arg13 : memref<!tpu.dma_semaphore, #tpu.memory_space<semaphore_mem>>)
    %dma_wait3A = arith.constant 0 : i32
    %dma_wait3A_22 = tpu.memref_slice %arg5[%dma_wait3A] : memref<256xi32, #tpu.memory_space<vmem>> -> memref<32xi32, #tpu.memory_space<vmem>>
    %dma_wait3A_23 = arith.constant 0 : i32
    %dma_wait3A_24 = arith.constant 0 : i32
    %dma_wait3A_25 = tpu.memref_slice %arg2[%dma_wait3A_23, %dma_wait3A_24] : memref<4096x768xf32, #tpu.memory_space<hbm>> -> memref<4096x768xf32, #tpu.memory_space<hbm>>
    tpu.wait_indirect_dma semaphore(%arg10 : memref<!tpu.dma_semaphore, #tpu.memory_space<semaphore_mem>>) src(%dma_wait3A_25 : memref<4096x768xf32, #tpu.memory_space<hbm>>) dst(%arg6 : memref<32x768xf32, #tpu.memory_space<vmem>>)
    %add3A_26 = arith.constant 0 : i32
    %add3A_27 = arith.addi %mul3A_2, %add3A_26 : i32
    "tpu.region"() ({
      %run_scoped3A = tpu.sem_alloc : memref<!tpu.dma_semaphore, #tpu.memory_space<semaphore_mem>>
      %dma_start3A_97 = arith.constant 0 : i32
      %dma_start3A_98 = tpu.memref_slice %arg4[%add3A_27, %dma_start3A_97] : memref<8192x768xf32, #tpu.memory_space<hbm>> -> memref<32x768xf32, #tpu.memory_space<hbm>>
      %dma_start3A_99 = arith.constant 0 : i32
      %dma_start3A_100 = tpu.memref_slice %arg4[%add3A_27, %dma_start3A_99] : memref<8192x768xf32, #tpu.memory_space<hbm>> -> memref<32x768xf32, #tpu.memory_space<hbm>>
      tpu.enqueue_dma source(%arg6 : memref<32x768xf32, #tpu.memory_space<vmem>>) target(%dma_start3A_100 : memref<32x768xf32, #tpu.memory_space<hbm>>) target_semaphore(%run_scoped3A : memref<!tpu.dma_semaphore, #tpu.memory_space<semaphore_mem>>)
      %dma_wait3A_101 = arith.constant 0 : i32
      %dma_wait3A_102 = tpu.memref_slice %arg4[%add3A_27, %dma_wait3A_101] : memref<8192x768xf32, #tpu.memory_space<hbm>> -> memref<32x768xf32, #tpu.memory_space<hbm>>
      %dma_wait3A_103 = arith.constant 0 : i32
      %dma_wait3A_104 = tpu.memref_slice %arg4[%add3A_27, %dma_wait3A_103] : memref<8192x768xf32, #tpu.memory_space<hbm>> -> memref<32x768xf32, #tpu.memory_space<hbm>>
      tpu.wait_dma2 semaphore(%run_scoped3A : memref<!tpu.dma_semaphore, #tpu.memory_space<semaphore_mem>>) src(%arg6 : memref<32x768xf32, #tpu.memory_space<vmem>>) dst(%dma_wait3A_104 : memref<32x768xf32, #tpu.memory_space<hbm>>)
      tpu.yield
    }) : () -> ()
    %dma_start3A_28 = arith.constant 128 : i32
    %dma_start3A_29 = tpu.memref_slice %arg5[%dma_start3A_28] : memref<256xi32, #tpu.memory_space<vmem>> -> memref<32xi32, #tpu.memory_space<vmem>>
    %dma_start3A_30 = arith.constant 0 : i32
    %dma_start3A_31 = arith.constant 0 : i32
    %dma_start3A_32 = tpu.memref_slice %arg2[%dma_start3A_30, %dma_start3A_31] : memref<4096x768xf32, #tpu.memory_space<hbm>> -> memref<4096x768xf32, #tpu.memory_space<hbm>>
    tpu.enqueue_indirect_dma source(%dma_start3A_32 : memref<4096x768xf32, #tpu.memory_space<hbm>>) target(%arg6 : memref<32x768xf32, #tpu.memory_space<vmem>>) offsets(%dma_start3A_29 : memref<32xi32, #tpu.memory_space<vmem>>) semaphore(%arg10 : memref<!tpu.dma_semaphore, #tpu.memory_space<semaphore_mem>>)
    %dma_wait3A_33 = arith.constant 32 : i32
    %dma_wait3A_34 = tpu.memref_slice %arg5[%dma_wait3A_33] : memref<256xi32, #tpu.memory_space<vmem>> -> memref<32xi32, #tpu.memory_space<vmem>>
    %dma_wait3A_35 = arith.constant 0 : i32
    %dma_wait3A_36 = arith.constant 0 : i32
    %dma_wait3A_37 = tpu.memref_slice %arg2[%dma_wait3A_35, %dma_wait3A_36] : memref<4096x768xf32, #tpu.memory_space<hbm>> -> memref<4096x768xf32, #tpu.memory_space<hbm>>
    tpu.wait_indirect_dma semaphore(%arg11 : memref<!tpu.dma_semaphore, #tpu.memory_space<semaphore_mem>>) src(%dma_wait3A_37 : memref<4096x768xf32, #tpu.memory_space<hbm>>) dst(%arg7 : memref<32x768xf32, #tpu.memory_space<vmem>>)
    %add3A_38 = arith.constant 32 : i32
    %add3A_39 = arith.addi %mul3A_2, %add3A_38 : i32
    "tpu.region"() ({
      %run_scoped3A = tpu.sem_alloc : memref<!tpu.dma_semaphore, #tpu.memory_space<semaphore_mem>>
      %dma_start3A_97 = arith.constant 0 : i32
      %dma_start3A_98 = tpu.memref_slice %arg4[%add3A_39, %dma_start3A_97] : memref<8192x768xf32, #tpu.memory_space<hbm>> -> memref<32x768xf32, #tpu.memory_space<hbm>>
      %dma_start3A_99 = arith.constant 0 : i32
      %dma_start3A_100 = tpu.memref_slice %arg4[%add3A_39, %dma_start3A_99] : memref<8192x768xf32, #tpu.memory_space<hbm>> -> memref<32x768xf32, #tpu.memory_space<hbm>>
      tpu.enqueue_dma source(%arg7 : memref<32x768xf32, #tpu.memory_space<vmem>>) target(%dma_start3A_100 : memref<32x768xf32, #tpu.memory_space<hbm>>) target_semaphore(%run_scoped3A : memref<!tpu.dma_semaphore, #tpu.memory_space<semaphore_mem>>)
      %dma_wait3A_101 = arith.constant 0 : i32
      %dma_wait3A_102 = tpu.memref_slice %arg4[%add3A_39, %dma_wait3A_101] : memref<8192x768xf32, #tpu.memory_space<hbm>> -> memref<32x768xf32, #tpu.memory_space<hbm>>
      %dma_wait3A_103 = arith.constant 0 : i32
      %dma_wait3A_104 = tpu.memref_slice %arg4[%add3A_39, %dma_wait3A_103] : memref<8192x768xf32, #tpu.memory_space<hbm>> -> memref<32x768xf32, #tpu.memory_space<hbm>>
      tpu.wait_dma2 semaphore(%run_scoped3A : memref<!tpu.dma_semaphore, #tpu.memory_space<semaphore_mem>>) src(%arg7 : memref<32x768xf32, #tpu.memory_space<vmem>>) dst(%dma_wait3A_104 : memref<32x768xf32, #tpu.memory_space<hbm>>)
      tpu.yield
    }) : () -> ()
    %dma_start3A_40 = arith.constant 160 : i32
    %dma_start3A_41 = tpu.memref_slice %arg5[%dma_start3A_40] : memref<256xi32, #tpu.memory_space<vmem>> -> memref<32xi32, #tpu.memory_space<vmem>>
    %dma_start3A_42 = arith.constant 0 : i32
    %dma_start3A_43 = arith.constant 0 : i32
    %dma_start3A_44 = tpu.memref_slice %arg2[%dma_start3A_42, %dma_start3A_43] : memref<4096x768xf32, #tpu.memory_space<hbm>> -> memref<4096x768xf32, #tpu.memory_space<hbm>>
    tpu.enqueue_indirect_dma source(%dma_start3A_44 : memref<4096x768xf32, #tpu.memory_space<hbm>>) target(%arg7 : memref<32x768xf32, #tpu.memory_space<vmem>>) offsets(%dma_start3A_41 : memref<32xi32, #tpu.memory_space<vmem>>) semaphore(%arg11 : memref<!tpu.dma_semaphore, #tpu.memory_space<semaphore_mem>>)
    %dma_wait3A_45 = arith.constant 64 : i32
    %dma_wait3A_46 = tpu.memref_slice %arg5[%dma_wait3A_45] : memref<256xi32, #tpu.memory_space<vmem>> -> memref<32xi32, #tpu.memory_space<vmem>>
    %dma_wait3A_47 = arith.constant 0 : i32
    %dma_wait3A_48 = arith.constant 0 : i32
    %dma_wait3A_49 = tpu.memref_slice %arg2[%dma_wait3A_47, %dma_wait3A_48] : memref<4096x768xf32, #tpu.memory_space<hbm>> -> memref<4096x768xf32, #tpu.memory_space<hbm>>
    tpu.wait_indirect_dma semaphore(%arg12 : memref<!tpu.dma_semaphore, #tpu.memory_space<semaphore_mem>>) src(%dma_wait3A_49 : memref<4096x768xf32, #tpu.memory_space<hbm>>) dst(%arg8 : memref<32x768xf32, #tpu.memory_space<vmem>>)
    %add3A_50 = arith.constant 64 : i32
    %add3A_51 = arith.addi %mul3A_2, %add3A_50 : i32
    "tpu.region"() ({
      %run_scoped3A = tpu.sem_alloc : memref<!tpu.dma_semaphore, #tpu.memory_space<semaphore_mem>>
      %dma_start3A_97 = arith.constant 0 : i32
      %dma_start3A_98 = tpu.memref_slice %arg4[%add3A_51, %dma_start3A_97] : memref<8192x768xf32, #tpu.memory_space<hbm>> -> memref<32x768xf32, #tpu.memory_space<hbm>>
      %dma_start3A_99 = arith.constant 0 : i32
      %dma_start3A_100 = tpu.memref_slice %arg4[%add3A_51, %dma_start3A_99] : memref<8192x768xf32, #tpu.memory_space<hbm>> -> memref<32x768xf32, #tpu.memory_space<hbm>>
      tpu.enqueue_dma source(%arg8 : memref<32x768xf32, #tpu.memory_space<vmem>>) target(%dma_start3A_100 : memref<32x768xf32, #tpu.memory_space<hbm>>) target_semaphore(%run_scoped3A : memref<!tpu.dma_semaphore, #tpu.memory_space<semaphore_mem>>)
      %dma_wait3A_101 = arith.constant 0 : i32
      %dma_wait3A_102 = tpu.memref_slice %arg4[%add3A_51, %dma_wait3A_101] : memref<8192x768xf32, #tpu.memory_space<hbm>> -> memref<32x768xf32, #tpu.memory_space<hbm>>
      %dma_wait3A_103 = arith.constant 0 : i32
      %dma_wait3A_104 = tpu.memref_slice %arg4[%add3A_51, %dma_wait3A_103] : memref<8192x768xf32, #tpu.memory_space<hbm>> -> memref<32x768xf32, #tpu.memory_space<hbm>>
      tpu.wait_dma2 semaphore(%run_scoped3A : memref<!tpu.dma_semaphore, #tpu.memory_space<semaphore_mem>>) src(%arg8 : memref<32x768xf32, #tpu.memory_space<vmem>>) dst(%dma_wait3A_104 : memref<32x768xf32, #tpu.memory_space<hbm>>)
      tpu.yield
    }) : () -> ()
    %dma_start3A_52 = arith.constant 192 : i32
    %dma_start3A_53 = tpu.memref_slice %arg5[%dma_start3A_52] : memref<256xi32, #tpu.memory_space<vmem>> -> memref<32xi32, #tpu.memory_space<vmem>>
    %dma_start3A_54 = arith.constant 0 : i32
    %dma_start3A_55 = arith.constant 0 : i32
    %dma_start3A_56 = tpu.memref_slice %arg2[%dma_start3A_54, %dma_start3A_55] : memref<4096x768xf32, #tpu.memory_space<hbm>> -> memref<4096x768xf32, #tpu.memory_space<hbm>>
    tpu.enqueue_indirect_dma source(%dma_start3A_56 : memref<4096x768xf32, #tpu.memory_space<hbm>>) target(%arg8 : memref<32x768xf32, #tpu.memory_space<vmem>>) offsets(%dma_start3A_53 : memref<32xi32, #tpu.memory_space<vmem>>) semaphore(%arg12 : memref<!tpu.dma_semaphore, #tpu.memory_space<semaphore_mem>>)
    %dma_wait3A_57 = arith.constant 96 : i32
    %dma_wait3A_58 = tpu.memref_slice %arg5[%dma_wait3A_57] : memref<256xi32, #tpu.memory_space<vmem>> -> memref<32xi32, #tpu.memory_space<vmem>>
    %dma_wait3A_59 = arith.constant 0 : i32
    %dma_wait3A_60 = arith.constant 0 : i32
    %dma_wait3A_61 = tpu.memref_slice %arg2[%dma_wait3A_59, %dma_wait3A_60] : memref<4096x768xf32, #tpu.memory_space<hbm>> -> memref<4096x768xf32, #tpu.memory_space<hbm>>
    tpu.wait_indirect_dma semaphore(%arg13 : memref<!tpu.dma_semaphore, #tpu.memory_space<semaphore_mem>>) src(%dma_wait3A_61 : memref<4096x768xf32, #tpu.memory_space<hbm>>) dst(%arg9 : memref<32x768xf32, #tpu.memory_space<vmem>>)
    %add3A_62 = arith.constant 96 : i32
    %add3A_63 = arith.addi %mul3A_2, %add3A_62 : i32
    "tpu.region"() ({
      %run_scoped3A = tpu.sem_alloc : memref<!tpu.dma_semaphore, #tpu.memory_space<semaphore_mem>>
      %dma_start3A_97 = arith.constant 0 : i32
      %dma_start3A_98 = tpu.memref_slice %arg4[%add3A_63, %dma_start3A_97] : memref<8192x768xf32, #tpu.memory_space<hbm>> -> memref<32x768xf32, #tpu.memory_space<hbm>>
      %dma_start3A_99 = arith.constant 0 : i32
      %dma_start3A_100 = tpu.memref_slice %arg4[%add3A_63, %dma_start3A_99] : memref<8192x768xf32, #tpu.memory_space<hbm>> -> memref<32x768xf32, #tpu.memory_space<hbm>>
      tpu.enqueue_dma source(%arg9 : memref<32x768xf32, #tpu.memory_space<vmem>>) target(%dma_start3A_100 : memref<32x768xf32, #tpu.memory_space<hbm>>) target_semaphore(%run_scoped3A : memref<!tpu.dma_semaphore, #tpu.memory_space<semaphore_mem>>)
      %dma_wait3A_101 = arith.constant 0 : i32
      %dma_wait3A_102 = tpu.memref_slice %arg4[%add3A_63, %dma_wait3A_101] : memref<8192x768xf32, #tpu.memory_space<hbm>> -> memref<32x768xf32, #tpu.memory_space<hbm>>
      %dma_wait3A_103 = arith.constant 0 : i32
      %dma_wait3A_104 = tpu.memref_slice %arg4[%add3A_63, %dma_wait3A_103] : memref<8192x768xf32, #tpu.memory_space<hbm>> -> memref<32x768xf32, #tpu.memory_space<hbm>>
      tpu.wait_dma2 semaphore(%run_scoped3A : memref<!tpu.dma_semaphore, #tpu.memory_space<semaphore_mem>>) src(%arg9 : memref<32x768xf32, #tpu.memory_space<vmem>>) dst(%dma_wait3A_104 : memref<32x768xf32, #tpu.memory_space<hbm>>)
      tpu.yield
    }) : () -> ()
    %dma_start3A_64 = arith.constant 224 : i32
    %dma_start3A_65 = tpu.memref_slice %arg5[%dma_start3A_64] : memref<256xi32, #tpu.memory_space<vmem>> -> memref<32xi32, #tpu.memory_space<vmem>>
    %dma_start3A_66 = arith.constant 0 : i32
    %dma_start3A_67 = arith.constant 0 : i32
    %dma_start3A_68 = tpu.memref_slice %arg2[%dma_start3A_66, %dma_start3A_67] : memref<4096x768xf32, #tpu.memory_space<hbm>> -> memref<4096x768xf32, #tpu.memory_space<hbm>>
    tpu.enqueue_indirect_dma source(%dma_start3A_68 : memref<4096x768xf32, #tpu.memory_space<hbm>>) target(%arg9 : memref<32x768xf32, #tpu.memory_space<vmem>>) offsets(%dma_start3A_65 : memref<32xi32, #tpu.memory_space<vmem>>) semaphore(%arg13 : memref<!tpu.dma_semaphore, #tpu.memory_space<semaphore_mem>>)
    %dma_wait3A_69 = arith.constant 128 : i32
    %dma_wait3A_70 = tpu.memref_slice %arg5[%dma_wait3A_69] : memref<256xi32, #tpu.memory_space<vmem>> -> memref<32xi32, #tpu.memory_space<vmem>>
    %dma_wait3A_71 = arith.constant 0 : i32
    %dma_wait3A_72 = arith.constant 0 : i32
    %dma_wait3A_73 = tpu.memref_slice %arg2[%dma_wait3A_71, %dma_wait3A_72] : memref<4096x768xf32, #tpu.memory_space<hbm>> -> memref<4096x768xf32, #tpu.memory_space<hbm>>
    tpu.wait_indirect_dma semaphore(%arg10 : memref<!tpu.dma_semaphore, #tpu.memory_space<semaphore_mem>>) src(%dma_wait3A_73 : memref<4096x768xf32, #tpu.memory_space<hbm>>) dst(%arg6 : memref<32x768xf32, #tpu.memory_space<vmem>>)
    %add3A_74 = arith.constant 128 : i32
    %add3A_75 = arith.addi %mul3A_2, %add3A_74 : i32
    "tpu.region"() ({
      %run_scoped3A = tpu.sem_alloc : memref<!tpu.dma_semaphore, #tpu.memory_space<semaphore_mem>>
      %dma_start3A_97 = arith.constant 0 : i32
      %dma_start3A_98 = tpu.memref_slice %arg4[%add3A_75, %dma_start3A_97] : memref<8192x768xf32, #tpu.memory_space<hbm>> -> memref<32x768xf32, #tpu.memory_space<hbm>>
      %dma_start3A_99 = arith.constant 0 : i32
      %dma_start3A_100 = tpu.memref_slice %arg4[%add3A_75, %dma_start3A_99] : memref<8192x768xf32, #tpu.memory_space<hbm>> -> memref<32x768xf32, #tpu.memory_space<hbm>>
      tpu.enqueue_dma source(%arg6 : memref<32x768xf32, #tpu.memory_space<vmem>>) target(%dma_start3A_100 : memref<32x768xf32, #tpu.memory_space<hbm>>) target_semaphore(%run_scoped3A : memref<!tpu.dma_semaphore, #tpu.memory_space<semaphore_mem>>)
      %dma_wait3A_101 = arith.constant 0 : i32
      %dma_wait3A_102 = tpu.memref_slice %arg4[%add3A_75, %dma_wait3A_101] : memref<8192x768xf32, #tpu.memory_space<hbm>> -> memref<32x768xf32, #tpu.memory_space<hbm>>
      %dma_wait3A_103 = arith.constant 0 : i32
      %dma_wait3A_104 = tpu.memref_slice %arg4[%add3A_75, %dma_wait3A_103] : memref<8192x768xf32, #tpu.memory_space<hbm>> -> memref<32x768xf32, #tpu.memory_space<hbm>>
      tpu.wait_dma2 semaphore(%run_scoped3A : memref<!tpu.dma_semaphore, #tpu.memory_space<semaphore_mem>>) src(%arg6 : memref<32x768xf32, #tpu.memory_space<vmem>>) dst(%dma_wait3A_104 : memref<32x768xf32, #tpu.memory_space<hbm>>)
      tpu.yield
    }) : () -> ()
    %dma_wait3A_76 = arith.constant 160 : i32
    %dma_wait3A_77 = tpu.memref_slice %arg5[%dma_wait3A_76] : memref<256xi32, #tpu.memory_space<vmem>> -> memref<32xi32, #tpu.memory_space<vmem>>
    %dma_wait3A_78 = arith.constant 0 : i32
    %dma_wait3A_79 = arith.constant 0 : i32
    %dma_wait3A_80 = tpu.memref_slice %arg2[%dma_wait3A_78, %dma_wait3A_79] : memref<4096x768xf32, #tpu.memory_space<hbm>> -> memref<4096x768xf32, #tpu.memory_space<hbm>>
    tpu.wait_indirect_dma semaphore(%arg11 : memref<!tpu.dma_semaphore, #tpu.memory_space<semaphore_mem>>) src(%dma_wait3A_80 : memref<4096x768xf32, #tpu.memory_space<hbm>>) dst(%arg7 : memref<32x768xf32, #tpu.memory_space<vmem>>)
    %add3A_81 = arith.constant 160 : i32
    %add3A_82 = arith.addi %mul3A_2, %add3A_81 : i32
    "tpu.region"() ({
      %run_scoped3A = tpu.sem_alloc : memref<!tpu.dma_semaphore, #tpu.memory_space<semaphore_mem>>
      %dma_start3A_97 = arith.constant 0 : i32
      %dma_start3A_98 = tpu.memref_slice %arg4[%add3A_82, %dma_start3A_97] : memref<8192x768xf32, #tpu.memory_space<hbm>> -> memref<32x768xf32, #tpu.memory_space<hbm>>
      %dma_start3A_99 = arith.constant 0 : i32
      %dma_start3A_100 = tpu.memref_slice %arg4[%add3A_82, %dma_start3A_99] : memref<8192x768xf32, #tpu.memory_space<hbm>> -> memref<32x768xf32, #tpu.memory_space<hbm>>
      tpu.enqueue_dma source(%arg7 : memref<32x768xf32, #tpu.memory_space<vmem>>) target(%dma_start3A_100 : memref<32x768xf32, #tpu.memory_space<hbm>>) target_semaphore(%run_scoped3A : memref<!tpu.dma_semaphore, #tpu.memory_space<semaphore_mem>>)
      %dma_wait3A_101 = arith.constant 0 : i32
      %dma_wait3A_102 = tpu.memref_slice %arg4[%add3A_82, %dma_wait3A_101] : memref<8192x768xf32, #tpu.memory_space<hbm>> -> memref<32x768xf32, #tpu.memory_space<hbm>>
      %dma_wait3A_103 = arith.constant 0 : i32
      %dma_wait3A_104 = tpu.memref_slice %arg4[%add3A_82, %dma_wait3A_103] : memref<8192x768xf32, #tpu.memory_space<hbm>> -> memref<32x768xf32, #tpu.memory_space<hbm>>
      tpu.wait_dma2 semaphore(%run_scoped3A : memref<!tpu.dma_semaphore, #tpu.memory_space<semaphore_mem>>) src(%arg7 : memref<32x768xf32, #tpu.memory_space<vmem>>) dst(%dma_wait3A_104 : memref<32x768xf32, #tpu.memory_space<hbm>>)
      tpu.yield
    }) : () -> ()
    %dma_wait3A_83 = arith.constant 192 : i32
    %dma_wait3A_84 = tpu.memref_slice %arg5[%dma_wait3A_83] : memref<256xi32, #tpu.memory_space<vmem>> -> memref<32xi32, #tpu.memory_space<vmem>>
    %dma_wait3A_85 = arith.constant 0 : i32
    %dma_wait3A_86 = arith.constant 0 : i32
    %dma_wait3A_87 = tpu.memref_slice %arg2[%dma_wait3A_85, %dma_wait3A_86] : memref<4096x768xf32, #tpu.memory_space<hbm>> -> memref<4096x768xf32, #tpu.memory_space<hbm>>
    tpu.wait_indirect_dma semaphore(%arg12 : memref<!tpu.dma_semaphore, #tpu.memory_space<semaphore_mem>>) src(%dma_wait3A_87 : memref<4096x768xf32, #tpu.memory_space<hbm>>) dst(%arg8 : memref<32x768xf32, #tpu.memory_space<vmem>>)
    %add3A_88 = arith.constant 192 : i32
    %add3A_89 = arith.addi %mul3A_2, %add3A_88 : i32
    "tpu.region"() ({
      %run_scoped3A = tpu.sem_alloc : memref<!tpu.dma_semaphore, #tpu.memory_space<semaphore_mem>>
      %dma_start3A_97 = arith.constant 0 : i32
      %dma_start3A_98 = tpu.memref_slice %arg4[%add3A_89, %dma_start3A_97] : memref<8192x768xf32, #tpu.memory_space<hbm>> -> memref<32x768xf32, #tpu.memory_space<hbm>>
      %dma_start3A_99 = arith.constant 0 : i32
      %dma_start3A_100 = tpu.memref_slice %arg4[%add3A_89, %dma_start3A_99] : memref<8192x768xf32, #tpu.memory_space<hbm>> -> memref<32x768xf32, #tpu.memory_space<hbm>>
      tpu.enqueue_dma source(%arg8 : memref<32x768xf32, #tpu.memory_space<vmem>>) target(%dma_start3A_100 : memref<32x768xf32, #tpu.memory_space<hbm>>) target_semaphore(%run_scoped3A : memref<!tpu.dma_semaphore, #tpu.memory_space<semaphore_mem>>)
      %dma_wait3A_101 = arith.constant 0 : i32
      %dma_wait3A_102 = tpu.memref_slice %arg4[%add3A_89, %dma_wait3A_101] : memref<8192x768xf32, #tpu.memory_space<hbm>> -> memref<32x768xf32, #tpu.memory_space<hbm>>
      %dma_wait3A_103 = arith.constant 0 : i32
      %dma_wait3A_104 = tpu.memref_slice %arg4[%add3A_89, %dma_wait3A_103] : memref<8192x768xf32, #tpu.memory_space<hbm>> -> memref<32x768xf32, #tpu.memory_space<hbm>>
      tpu.wait_dma2 semaphore(%run_scoped3A : memref<!tpu.dma_semaphore, #tpu.memory_space<semaphore_mem>>) src(%arg8 : memref<32x768xf32, #tpu.memory_space<vmem>>) dst(%dma_wait3A_104 : memref<32x768xf32, #tpu.memory_space<hbm>>)
      tpu.yield
    }) : () -> ()
    %dma_wait3A_90 = arith.constant 224 : i32
    %dma_wait3A_91 = tpu.memref_slice %arg5[%dma_wait3A_90] : memref<256xi32, #tpu.memory_space<vmem>> -> memref<32xi32, #tpu.memory_space<vmem>>
    %dma_wait3A_92 = arith.constant 0 : i32
    %dma_wait3A_93 = arith.constant 0 : i32
    %dma_wait3A_94 = tpu.memref_slice %arg2[%dma_wait3A_92, %dma_wait3A_93] : memref<4096x768xf32, #tpu.memory_space<hbm>> -> memref<4096x768xf32, #tpu.memory_space<hbm>>
    tpu.wait_indirect_dma semaphore(%arg13 : memref<!tpu.dma_semaphore, #tpu.memory_space<semaphore_mem>>) src(%dma_wait3A_94 : memref<4096x768xf32, #tpu.memory_space<hbm>>) dst(%arg9 : memref<32x768xf32, #tpu.memory_space<vmem>>)
    %add3A_95 = arith.constant 224 : i32
    %add3A_96 = arith.addi %mul3A_2, %add3A_95 : i32
    "tpu.region"() ({
      %run_scoped3A = tpu.sem_alloc : memref<!tpu.dma_semaphore, #tpu.memory_space<semaphore_mem>>
      %dma_start3A_97 = arith.constant 0 : i32
      %dma_start3A_98 = tpu.memref_slice %arg4[%add3A_96, %dma_start3A_97] : memref<8192x768xf32, #tpu.memory_space<hbm>> -> memref<32x768xf32, #tpu.memory_space<hbm>>
      %dma_start3A_99 = arith.constant 0 : i32
      %dma_start3A_100 = tpu.memref_slice %arg4[%add3A_96, %dma_start3A_99] : memref<8192x768xf32, #tpu.memory_space<hbm>> -> memref<32x768xf32, #tpu.memory_space<hbm>>
      tpu.enqueue_dma source(%arg9 : memref<32x768xf32, #tpu.memory_space<vmem>>) target(%dma_start3A_100 : memref<32x768xf32, #tpu.memory_space<hbm>>) target_semaphore(%run_scoped3A : memref<!tpu.dma_semaphore, #tpu.memory_space<semaphore_mem>>)
      %dma_wait3A_101 = arith.constant 0 : i32
      %dma_wait3A_102 = tpu.memref_slice %arg4[%add3A_96, %dma_wait3A_101] : memref<8192x768xf32, #tpu.memory_space<hbm>> -> memref<32x768xf32, #tpu.memory_space<hbm>>
      %dma_wait3A_103 = arith.constant 0 : i32
      %dma_wait3A_104 = tpu.memref_slice %arg4[%add3A_96, %dma_wait3A_103] : memref<8192x768xf32, #tpu.memory_space<hbm>> -> memref<32x768xf32, #tpu.memory_space<hbm>>
      tpu.wait_dma2 semaphore(%run_scoped3A : memref<!tpu.dma_semaphore, #tpu.memory_space<semaphore_mem>>) src(%arg9 : memref<32x768xf32, #tpu.memory_space<vmem>>) dst(%dma_wait3A_104 : memref<32x768xf32, #tpu.memory_space<hbm>>)
      tpu.yield
    }) : () -> ()
    return
  }
}

#map = affine_map<(d0, d1) -> (0, 0)>
#map1 = affine_map<(d0, d1) -> (0)>
module attributes {stable_mosaic.version = 14 : i64} {
  func.func @k(%arg0: i32, %arg1: i32, %arg2: memref<8192x768xf32, #tpu.memory_space<hbm>>, %arg3: memref<4096xi32, #tpu.memory_space<hbm>>, %arg4: memref<4096x768xf32, #tpu.memory_space<hbm>>, %arg5: memref<128xi32, #tpu.memory_space<vmem>>, %arg6: memref<32x768xf32, #tpu.memory_space<vmem>>, %arg7: memref<32x768xf32, #tpu.memory_space<vmem>>, %arg8: memref<32x768xf32, #tpu.memory_space<vmem>>, %arg9: memref<32x768xf32, #tpu.memory_space<vmem>>, %arg10: memref<!tpu.dma_semaphore, #tpu.memory_space<semaphore_mem>>, %arg11: memref<!tpu.dma_semaphore, #tpu.memory_space<semaphore_mem>>, %arg12: memref<!tpu.dma_semaphore, #tpu.memory_space<semaphore_mem>>, %arg13: memref<!tpu.dma_semaphore, #tpu.memory_space<semaphore_mem>>) attributes {dimension_semantics = [#tpu.dimension_semantics<core_parallel>, #tpu.dimension_semantics<subcore_parallel>], iteration_bounds = array<i64: 2, 16>, scalar_prefetch = 0 : i64, scratch_operands = 9 : i64, tpu.core_type = #tpu.core_type<sc_vector_subcore>, window_params = [{transform_indices = #map}, {transform_indices = #map1}, {transform_indices = #map}]} {
    %mul3A = arith.constant 2 : i32
    %mul3A_0 = arith.muli %arg1, %mul3A : i32
    %add3A = arith.addi %mul3A_0, %arg0 : i32
    %mul3A_1 = arith.constant 128 : i32
    %mul3A_2 = arith.muli %add3A, %mul3A_1 : i32
    "tpu.region"() ({
      %run_scoped3A = tpu.sem_alloc : memref<!tpu.dma_semaphore, #tpu.memory_space<semaphore_mem>>
      %dma_start3A_49 = tpu.memref_slice %arg3[%mul3A_2] : memref<4096xi32, #tpu.memory_space<hbm>> -> memref<128xi32, #tpu.memory_space<hbm>>
      %dma_start3A_50 = tpu.memref_slice %arg3[%mul3A_2] : memref<4096xi32, #tpu.memory_space<hbm>> -> memref<128xi32, #tpu.memory_space<hbm>>
      tpu.enqueue_dma source(%dma_start3A_50 : memref<128xi32, #tpu.memory_space<hbm>>) target(%arg5 : memref<128xi32, #tpu.memory_space<vmem>>) target_semaphore(%run_scoped3A : memref<!tpu.dma_semaphore, #tpu.memory_space<semaphore_mem>>)
      %dma_wait3A_51 = tpu.memref_slice %arg3[%mul3A_2] : memref<4096xi32, #tpu.memory_space<hbm>> -> memref<128xi32, #tpu.memory_space<hbm>>
      %dma_wait3A_52 = tpu.memref_slice %arg3[%mul3A_2] : memref<4096xi32, #tpu.memory_space<hbm>> -> memref<128xi32, #tpu.memory_space<hbm>>
      tpu.wait_dma2 semaphore(%run_scoped3A : memref<!tpu.dma_semaphore, #tpu.memory_space<semaphore_mem>>) src(%dma_wait3A_52 : memref<128xi32, #tpu.memory_space<hbm>>) dst(%arg5 : memref<128xi32, #tpu.memory_space<vmem>>)
      tpu.yield
    }) : () -> ()
    %dma_start3A = arith.constant 0 : i32
    %dma_start3A_3 = tpu.memref_slice %arg5[%dma_start3A] : memref<128xi32, #tpu.memory_space<vmem>> -> memref<32xi32, #tpu.memory_space<vmem>>
    %dma_start3A_4 = arith.constant 0 : i32
    %dma_start3A_5 = arith.constant 0 : i32
    %dma_start3A_6 = tpu.memref_slice %arg2[%dma_start3A_4, %dma_start3A_5] : memref<8192x768xf32, #tpu.memory_space<hbm>> -> memref<8192x768xf32, #tpu.memory_space<hbm>>
    tpu.enqueue_indirect_dma source(%dma_start3A_6 : memref<8192x768xf32, #tpu.memory_space<hbm>>) target(%arg6 : memref<32x768xf32, #tpu.memory_space<vmem>>) offsets(%dma_start3A_3 : memref<32xi32, #tpu.memory_space<vmem>>) semaphore(%arg10 : memref<!tpu.dma_semaphore, #tpu.memory_space<semaphore_mem>>)
    %dma_start3A_7 = arith.constant 32 : i32
    %dma_start3A_8 = tpu.memref_slice %arg5[%dma_start3A_7] : memref<128xi32, #tpu.memory_space<vmem>> -> memref<32xi32, #tpu.memory_space<vmem>>
    %dma_start3A_9 = arith.constant 0 : i32
    %dma_start3A_10 = arith.constant 0 : i32
    %dma_start3A_11 = tpu.memref_slice %arg2[%dma_start3A_9, %dma_start3A_10] : memref<8192x768xf32, #tpu.memory_space<hbm>> -> memref<8192x768xf32, #tpu.memory_space<hbm>>
    tpu.enqueue_indirect_dma source(%dma_start3A_11 : memref<8192x768xf32, #tpu.memory_space<hbm>>) target(%arg7 : memref<32x768xf32, #tpu.memory_space<vmem>>) offsets(%dma_start3A_8 : memref<32xi32, #tpu.memory_space<vmem>>) semaphore(%arg11 : memref<!tpu.dma_semaphore, #tpu.memory_space<semaphore_mem>>)
    %dma_start3A_12 = arith.constant 64 : i32
    %dma_start3A_13 = tpu.memref_slice %arg5[%dma_start3A_12] : memref<128xi32, #tpu.memory_space<vmem>> -> memref<32xi32, #tpu.memory_space<vmem>>
    %dma_start3A_14 = arith.constant 0 : i32
    %dma_start3A_15 = arith.constant 0 : i32
    %dma_start3A_16 = tpu.memref_slice %arg2[%dma_start3A_14, %dma_start3A_15] : memref<8192x768xf32, #tpu.memory_space<hbm>> -> memref<8192x768xf32, #tpu.memory_space<hbm>>
    tpu.enqueue_indirect_dma source(%dma_start3A_16 : memref<8192x768xf32, #tpu.memory_space<hbm>>) target(%arg8 : memref<32x768xf32, #tpu.memory_space<vmem>>) offsets(%dma_start3A_13 : memref<32xi32, #tpu.memory_space<vmem>>) semaphore(%arg12 : memref<!tpu.dma_semaphore, #tpu.memory_space<semaphore_mem>>)
    %dma_start3A_17 = arith.constant 96 : i32
    %dma_start3A_18 = tpu.memref_slice %arg5[%dma_start3A_17] : memref<128xi32, #tpu.memory_space<vmem>> -> memref<32xi32, #tpu.memory_space<vmem>>
    %dma_start3A_19 = arith.constant 0 : i32
    %dma_start3A_20 = arith.constant 0 : i32
    %dma_start3A_21 = tpu.memref_slice %arg2[%dma_start3A_19, %dma_start3A_20] : memref<8192x768xf32, #tpu.memory_space<hbm>> -> memref<8192x768xf32, #tpu.memory_space<hbm>>
    tpu.enqueue_indirect_dma source(%dma_start3A_21 : memref<8192x768xf32, #tpu.memory_space<hbm>>) target(%arg9 : memref<32x768xf32, #tpu.memory_space<vmem>>) offsets(%dma_start3A_18 : memref<32xi32, #tpu.memory_space<vmem>>) semaphore(%arg13 : memref<!tpu.dma_semaphore, #tpu.memory_space<semaphore_mem>>)
    %dma_wait3A = arith.constant 0 : i32
    %dma_wait3A_22 = tpu.memref_slice %arg5[%dma_wait3A] : memref<128xi32, #tpu.memory_space<vmem>> -> memref<32xi32, #tpu.memory_space<vmem>>
    %dma_wait3A_23 = arith.constant 0 : i32
    %dma_wait3A_24 = arith.constant 0 : i32
    %dma_wait3A_25 = tpu.memref_slice %arg2[%dma_wait3A_23, %dma_wait3A_24] : memref<8192x768xf32, #tpu.memory_space<hbm>> -> memref<8192x768xf32, #tpu.memory_space<hbm>>
    tpu.wait_indirect_dma semaphore(%arg10 : memref<!tpu.dma_semaphore, #tpu.memory_space<semaphore_mem>>) src(%dma_wait3A_25 : memref<8192x768xf32, #tpu.memory_space<hbm>>) dst(%arg6 : memref<32x768xf32, #tpu.memory_space<vmem>>)
    %add3A_26 = arith.constant 0 : i32
    %add3A_27 = arith.addi %mul3A_2, %add3A_26 : i32
    "tpu.region"() ({
      %run_scoped3A = tpu.sem_alloc : memref<!tpu.dma_semaphore, #tpu.memory_space<semaphore_mem>>
      %dma_start3A_49 = arith.constant 0 : i32
      %dma_start3A_50 = tpu.memref_slice %arg4[%add3A_27, %dma_start3A_49] : memref<4096x768xf32, #tpu.memory_space<hbm>> -> memref<32x768xf32, #tpu.memory_space<hbm>>
      %dma_start3A_51 = arith.constant 0 : i32
      %dma_start3A_52 = tpu.memref_slice %arg4[%add3A_27, %dma_start3A_51] : memref<4096x768xf32, #tpu.memory_space<hbm>> -> memref<32x768xf32, #tpu.memory_space<hbm>>
      tpu.enqueue_dma source(%arg6 : memref<32x768xf32, #tpu.memory_space<vmem>>) target(%dma_start3A_52 : memref<32x768xf32, #tpu.memory_space<hbm>>) target_semaphore(%run_scoped3A : memref<!tpu.dma_semaphore, #tpu.memory_space<semaphore_mem>>)
      %dma_wait3A_53 = arith.constant 0 : i32
      %dma_wait3A_54 = tpu.memref_slice %arg4[%add3A_27, %dma_wait3A_53] : memref<4096x768xf32, #tpu.memory_space<hbm>> -> memref<32x768xf32, #tpu.memory_space<hbm>>
      %dma_wait3A_55 = arith.constant 0 : i32
      %dma_wait3A_56 = tpu.memref_slice %arg4[%add3A_27, %dma_wait3A_55] : memref<4096x768xf32, #tpu.memory_space<hbm>> -> memref<32x768xf32, #tpu.memory_space<hbm>>
      tpu.wait_dma2 semaphore(%run_scoped3A : memref<!tpu.dma_semaphore, #tpu.memory_space<semaphore_mem>>) src(%arg6 : memref<32x768xf32, #tpu.memory_space<vmem>>) dst(%dma_wait3A_56 : memref<32x768xf32, #tpu.memory_space<hbm>>)
      tpu.yield
    }) : () -> ()
    %dma_wait3A_28 = arith.constant 32 : i32
    %dma_wait3A_29 = tpu.memref_slice %arg5[%dma_wait3A_28] : memref<128xi32, #tpu.memory_space<vmem>> -> memref<32xi32, #tpu.memory_space<vmem>>
    %dma_wait3A_30 = arith.constant 0 : i32
    %dma_wait3A_31 = arith.constant 0 : i32
    %dma_wait3A_32 = tpu.memref_slice %arg2[%dma_wait3A_30, %dma_wait3A_31] : memref<8192x768xf32, #tpu.memory_space<hbm>> -> memref<8192x768xf32, #tpu.memory_space<hbm>>
    tpu.wait_indirect_dma semaphore(%arg11 : memref<!tpu.dma_semaphore, #tpu.memory_space<semaphore_mem>>) src(%dma_wait3A_32 : memref<8192x768xf32, #tpu.memory_space<hbm>>) dst(%arg7 : memref<32x768xf32, #tpu.memory_space<vmem>>)
    %add3A_33 = arith.constant 32 : i32
    %add3A_34 = arith.addi %mul3A_2, %add3A_33 : i32
    "tpu.region"() ({
      %run_scoped3A = tpu.sem_alloc : memref<!tpu.dma_semaphore, #tpu.memory_space<semaphore_mem>>
      %dma_start3A_49 = arith.constant 0 : i32
      %dma_start3A_50 = tpu.memref_slice %arg4[%add3A_34, %dma_start3A_49] : memref<4096x768xf32, #tpu.memory_space<hbm>> -> memref<32x768xf32, #tpu.memory_space<hbm>>
      %dma_start3A_51 = arith.constant 0 : i32
      %dma_start3A_52 = tpu.memref_slice %arg4[%add3A_34, %dma_start3A_51] : memref<4096x768xf32, #tpu.memory_space<hbm>> -> memref<32x768xf32, #tpu.memory_space<hbm>>
      tpu.enqueue_dma source(%arg7 : memref<32x768xf32, #tpu.memory_space<vmem>>) target(%dma_start3A_52 : memref<32x768xf32, #tpu.memory_space<hbm>>) target_semaphore(%run_scoped3A : memref<!tpu.dma_semaphore, #tpu.memory_space<semaphore_mem>>)
      %dma_wait3A_53 = arith.constant 0 : i32
      %dma_wait3A_54 = tpu.memref_slice %arg4[%add3A_34, %dma_wait3A_53] : memref<4096x768xf32, #tpu.memory_space<hbm>> -> memref<32x768xf32, #tpu.memory_space<hbm>>
      %dma_wait3A_55 = arith.constant 0 : i32
      %dma_wait3A_56 = tpu.memref_slice %arg4[%add3A_34, %dma_wait3A_55] : memref<4096x768xf32, #tpu.memory_space<hbm>> -> memref<32x768xf32, #tpu.memory_space<hbm>>
      tpu.wait_dma2 semaphore(%run_scoped3A : memref<!tpu.dma_semaphore, #tpu.memory_space<semaphore_mem>>) src(%arg7 : memref<32x768xf32, #tpu.memory_space<vmem>>) dst(%dma_wait3A_56 : memref<32x768xf32, #tpu.memory_space<hbm>>)
      tpu.yield
    }) : () -> ()
    %dma_wait3A_35 = arith.constant 64 : i32
    %dma_wait3A_36 = tpu.memref_slice %arg5[%dma_wait3A_35] : memref<128xi32, #tpu.memory_space<vmem>> -> memref<32xi32, #tpu.memory_space<vmem>>
    %dma_wait3A_37 = arith.constant 0 : i32
    %dma_wait3A_38 = arith.constant 0 : i32
    %dma_wait3A_39 = tpu.memref_slice %arg2[%dma_wait3A_37, %dma_wait3A_38] : memref<8192x768xf32, #tpu.memory_space<hbm>> -> memref<8192x768xf32, #tpu.memory_space<hbm>>
    tpu.wait_indirect_dma semaphore(%arg12 : memref<!tpu.dma_semaphore, #tpu.memory_space<semaphore_mem>>) src(%dma_wait3A_39 : memref<8192x768xf32, #tpu.memory_space<hbm>>) dst(%arg8 : memref<32x768xf32, #tpu.memory_space<vmem>>)
    %add3A_40 = arith.constant 64 : i32
    %add3A_41 = arith.addi %mul3A_2, %add3A_40 : i32
    "tpu.region"() ({
      %run_scoped3A = tpu.sem_alloc : memref<!tpu.dma_semaphore, #tpu.memory_space<semaphore_mem>>
      %dma_start3A_49 = arith.constant 0 : i32
      %dma_start3A_50 = tpu.memref_slice %arg4[%add3A_41, %dma_start3A_49] : memref<4096x768xf32, #tpu.memory_space<hbm>> -> memref<32x768xf32, #tpu.memory_space<hbm>>
      %dma_start3A_51 = arith.constant 0 : i32
      %dma_start3A_52 = tpu.memref_slice %arg4[%add3A_41, %dma_start3A_51] : memref<4096x768xf32, #tpu.memory_space<hbm>> -> memref<32x768xf32, #tpu.memory_space<hbm>>
      tpu.enqueue_dma source(%arg8 : memref<32x768xf32, #tpu.memory_space<vmem>>) target(%dma_start3A_52 : memref<32x768xf32, #tpu.memory_space<hbm>>) target_semaphore(%run_scoped3A : memref<!tpu.dma_semaphore, #tpu.memory_space<semaphore_mem>>)
      %dma_wait3A_53 = arith.constant 0 : i32
      %dma_wait3A_54 = tpu.memref_slice %arg4[%add3A_41, %dma_wait3A_53] : memref<4096x768xf32, #tpu.memory_space<hbm>> -> memref<32x768xf32, #tpu.memory_space<hbm>>
      %dma_wait3A_55 = arith.constant 0 : i32
      %dma_wait3A_56 = tpu.memref_slice %arg4[%add3A_41, %dma_wait3A_55] : memref<4096x768xf32, #tpu.memory_space<hbm>> -> memref<32x768xf32, #tpu.memory_space<hbm>>
      tpu.wait_dma2 semaphore(%run_scoped3A : memref<!tpu.dma_semaphore, #tpu.memory_space<semaphore_mem>>) src(%arg8 : memref<32x768xf32, #tpu.memory_space<vmem>>) dst(%dma_wait3A_56 : memref<32x768xf32, #tpu.memory_space<hbm>>)
      tpu.yield
    }) : () -> ()
    %dma_wait3A_42 = arith.constant 96 : i32
    %dma_wait3A_43 = tpu.memref_slice %arg5[%dma_wait3A_42] : memref<128xi32, #tpu.memory_space<vmem>> -> memref<32xi32, #tpu.memory_space<vmem>>
    %dma_wait3A_44 = arith.constant 0 : i32
    %dma_wait3A_45 = arith.constant 0 : i32
    %dma_wait3A_46 = tpu.memref_slice %arg2[%dma_wait3A_44, %dma_wait3A_45] : memref<8192x768xf32, #tpu.memory_space<hbm>> -> memref<8192x768xf32, #tpu.memory_space<hbm>>
    tpu.wait_indirect_dma semaphore(%arg13 : memref<!tpu.dma_semaphore, #tpu.memory_space<semaphore_mem>>) src(%dma_wait3A_46 : memref<8192x768xf32, #tpu.memory_space<hbm>>) dst(%arg9 : memref<32x768xf32, #tpu.memory_space<vmem>>)
    %add3A_47 = arith.constant 96 : i32
    %add3A_48 = arith.addi %mul3A_2, %add3A_47 : i32
    "tpu.region"() ({
      %run_scoped3A = tpu.sem_alloc : memref<!tpu.dma_semaphore, #tpu.memory_space<semaphore_mem>>
      %dma_start3A_49 = arith.constant 0 : i32
      %dma_start3A_50 = tpu.memref_slice %arg4[%add3A_48, %dma_start3A_49] : memref<4096x768xf32, #tpu.memory_space<hbm>> -> memref<32x768xf32, #tpu.memory_space<hbm>>
      %dma_start3A_51 = arith.constant 0 : i32
      %dma_start3A_52 = tpu.memref_slice %arg4[%add3A_48, %dma_start3A_51] : memref<4096x768xf32, #tpu.memory_space<hbm>> -> memref<32x768xf32, #tpu.memory_space<hbm>>
      tpu.enqueue_dma source(%arg9 : memref<32x768xf32, #tpu.memory_space<vmem>>) target(%dma_start3A_52 : memref<32x768xf32, #tpu.memory_space<hbm>>) target_semaphore(%run_scoped3A : memref<!tpu.dma_semaphore, #tpu.memory_space<semaphore_mem>>)
      %dma_wait3A_53 = arith.constant 0 : i32
      %dma_wait3A_54 = tpu.memref_slice %arg4[%add3A_48, %dma_wait3A_53] : memref<4096x768xf32, #tpu.memory_space<hbm>> -> memref<32x768xf32, #tpu.memory_space<hbm>>
      %dma_wait3A_55 = arith.constant 0 : i32
      %dma_wait3A_56 = tpu.memref_slice %arg4[%add3A_48, %dma_wait3A_55] : memref<4096x768xf32, #tpu.memory_space<hbm>> -> memref<32x768xf32, #tpu.memory_space<hbm>>
      tpu.wait_dma2 semaphore(%run_scoped3A : memref<!tpu.dma_semaphore, #tpu.memory_space<semaphore_mem>>) src(%arg9 : memref<32x768xf32, #tpu.memory_space<vmem>>) dst(%dma_wait3A_56 : memref<32x768xf32, #tpu.memory_space<hbm>>)
      tpu.yield
    }) : () -> ()
    return
  }
}

module attributes {stable_mosaic.version = 14 : i64} {
  func.func @_qkv_body(%arg0: i32, %arg1: memref<256x768xf32, #tpu.memory_space<vmem>>, %arg2: memref<1x768xf32, #tpu.memory_space<vmem>>, %arg3: memref<2304x768xf32, #tpu.memory_space<vmem>>, %arg4: memref<1x2304xf32, #tpu.memory_space<vmem>>, %arg5: memref<256x2304xf32, #tpu.memory_space<vmem>>) attributes {dimension_semantics = [#tpu.dimension_semantics<arbitrary>], iteration_bounds = array<i64: 16>, scalar_prefetch = 0 : i64, scratch_operands = 0 : i64, tpu.core_type = #tpu.core_type<tc>, window_params = [{transform_indices = @transform_0, window_bounds = array<i64: 256, 768>}, {pipeline_mode = #tpu.pipeline_mode<synchronous>, transform_indices = @transform_1, window_bounds = array<i64: 1, 768>}, {pipeline_mode = #tpu.pipeline_mode<synchronous>, transform_indices = @transform_2, window_bounds = array<i64: 2304, 768>}, {pipeline_mode = #tpu.pipeline_mode<synchronous>, transform_indices = @transform_3, window_bounds = array<i64: 1, 2304>}, {transform_indices = @transform_4, window_bounds = array<i64: 256, 2304>}]} {
    %get3A = arith.constant 0 : index
    %get3A_0 = arith.constant 0 : index
    %get3A_1 = vector.load %arg1[%get3A, %get3A_0] : memref<256x768xf32, #tpu.memory_space<vmem>>, vector<256x768xf32>
    %mul3A = arith.mulf %get3A_1, %get3A_1 : vector<256x768xf32>
    %reduce_sum3A = arith.constant dense<0.000000e+00> : vector<256xf32>
    %reduce_sum3A_2 = vector.multi_reduction <add>, %mul3A, %reduce_sum3A [1] : vector<256x768xf32> to vector<256xf32>
    %broadcast_in_dim3A = vector.shape_cast %reduce_sum3A_2 : vector<256xf32> to vector<256x1xf32>
    %div3A = arith.constant 7.680000e+02 : f32
    %div3A_3 = vector.broadcast %div3A : f32 to vector<256x1xf32>
    %div3A_4 = arith.divf %broadcast_in_dim3A, %div3A_3 : vector<256x1xf32>
    %add3A = arith.constant 1.1920929E-7 : f32
    %add3A_5 = vector.broadcast %add3A : f32 to vector<256x1xf32>
    %add3A_6 = arith.addf %div3A_4, %add3A_5 : vector<256x1xf32>
    %rsqrt3A = math.rsqrt %add3A_6 : vector<256x1xf32>
    %mul3A_7 = vector.broadcast %rsqrt3A : vector<256x1xf32> to vector<256x768xf32>
    %mul3A_8 = arith.mulf %get3A_1, %mul3A_7 : vector<256x768xf32>
    %get3A_9 = arith.constant 0 : index
    %get3A_10 = arith.constant 0 : index
    %get3A_11 = vector.load %arg2[%get3A_9, %get3A_10] : memref<1x768xf32, #tpu.memory_space<vmem>>, vector<1x768xf32>
    %mul3A_12 = vector.broadcast %get3A_11 : vector<1x768xf32> to vector<256x768xf32>
    %mul3A_13 = arith.mulf %mul3A_8, %mul3A_12 : vector<256x768xf32>
    %get3A_14 = arith.constant 0 : index
    %get3A_15 = arith.constant 0 : index
    %get3A_16 = vector.load %arg3[%get3A_14, %get3A_15] : memref<2304x768xf32, #tpu.memory_space<vmem>>, vector<2304x768xf32>
    %dot_general3A = arith.constant dense<0.000000e+00> : vector<256x2304xf32>
    %dot_general3A_17 = tpu.matmul %mul3A_13, %get3A_16, %dot_general3A {dimension_numbers = #tpu.dot_dimension_numbers<[1], [1], [0], [0], [0, 0, 1, 0], [], []>, transpose_lhs_hint = false} : vector<256x768xf32>, vector<2304x768xf32>, vector<256x2304xf32> -> vector<256x2304xf32>
    %get3A_18 = arith.constant 0 : index
    %get3A_19 = arith.constant 0 : index
    %get3A_20 = vector.load %arg4[%get3A_18, %get3A_19] : memref<1x2304xf32, #tpu.memory_space<vmem>>, vector<1x2304xf32>
    %add3A_21 = vector.broadcast %get3A_20 : vector<1x2304xf32> to vector<256x2304xf32>
    %add3A_22 = arith.addf %dot_general3A_17, %add3A_21 : vector<256x2304xf32>
    %swap3A = arith.constant 0 : index
    %swap3A_23 = arith.constant 0 : index
    %swap3A_24 = vector.load %arg5[%swap3A, %swap3A_23] : memref<256x2304xf32, #tpu.memory_space<vmem>>, vector<256x2304xf32>
    tpu.vector_store %arg5[%swap3A, %swap3A_23], %add3A_22 {strides = array<i32>} : memref<256x2304xf32, #tpu.memory_space<vmem>>, vector<256x2304xf32>,
    return
  }
  func.func @transform_0(%arg0: i32) -> (i32, i32) {
    %c0_i32 = arith.constant 0 : i32
    %c0_i32_0 = arith.constant 0 : i32
    return %arg0, %c0_i32 : i32, i32
  }
  func.func @transform_1(%arg0: i32) -> (i32, i32) {
    %c0_i32 = arith.constant 0 : i32
    %c0_i32_0 = arith.constant 0 : i32
    %c0_i32_1 = arith.constant 0 : i32
    return %c0_i32, %c0_i32_0 : i32, i32
  }
  func.func @transform_2(%arg0: i32) -> (i32, i32) {
    %c0_i32 = arith.constant 0 : i32
    %c0_i32_0 = arith.constant 0 : i32
    %c0_i32_1 = arith.constant 0 : i32
    return %c0_i32, %c0_i32_0 : i32, i32
  }
  func.func @transform_3(%arg0: i32) -> (i32, i32) {
    %c0_i32 = arith.constant 0 : i32
    %c0_i32_0 = arith.constant 0 : i32
    %c0_i32_1 = arith.constant 0 : i32
    return %c0_i32, %c0_i32_0 : i32, i32
  }
  func.func @transform_4(%arg0: i32) -> (i32, i32) {
    %c0_i32 = arith.constant 0 : i32
    %c0_i32_0 = arith.constant 0 : i32
    return %arg0, %c0_i32 : i32, i32
  }
}

module attributes {stable_mosaic.version = 14 : i64} {
  func.func @_attn_body(%arg0: i32, %arg1: i32, %arg2: i32, %arg3: memref<1x1x512x64xf32, #tpu.memory_space<vmem>>, %arg4: memref<1x1x2048x64xf32, #tpu.memory_space<vmem>>, %arg5: memref<1x1x2048x64xf32, #tpu.memory_space<vmem>>, %arg6: memref<1x1x512x64xf32, #tpu.memory_space<vmem>>) attributes {dimension_semantics = [#tpu.dimension_semantics<arbitrary>, #tpu.dimension_semantics<arbitrary>, #tpu.dimension_semantics<arbitrary>], iteration_bounds = array<i64: 2, 12, 4>, scalar_prefetch = 0 : i64, scratch_operands = 0 : i64, tpu.core_type = #tpu.core_type<tc>, window_params = [{transform_indices = @transform_0, window_bounds = array<i64: 1, 1, 512, 64>}, {transform_indices = @transform_1, window_bounds = array<i64: 1, 1, 2048, 64>}, {transform_indices = @transform_2, window_bounds = array<i64: 1, 1, 2048, 64>}, {transform_indices = @transform_3, window_bounds = array<i64: 1, 1, 512, 64>}]} {
    %get3A = arith.constant 0 : index
    %get3A_0 = arith.constant 0 : index
    %get3A_1 = arith.constant 0 : index
    %get3A_2 = arith.constant 0 : index
    %get3A_3 = vector.load %arg3[%get3A, %get3A_0, %get3A_1, %get3A_2] : memref<1x1x512x64xf32, #tpu.memory_space<vmem>>, vector<1x1x512x64xf32>
    %get3A_4 = vector.shape_cast %get3A_3 : vector<1x1x512x64xf32> to vector<512x64xf32>
    %get3A_5 = arith.constant 0 : index
    %get3A_6 = arith.constant 0 : index
    %get3A_7 = arith.constant 0 : index
    %get3A_8 = arith.constant 0 : index
    %get3A_9 = vector.load %arg4[%get3A_5, %get3A_6, %get3A_7, %get3A_8] : memref<1x1x2048x64xf32, #tpu.memory_space<vmem>>, vector<1x1x2048x64xf32>
    %get3A_10 = vector.shape_cast %get3A_9 : vector<1x1x2048x64xf32> to vector<2048x64xf32>
    %get3A_11 = arith.constant 0 : index
    %get3A_12 = arith.constant 0 : index
    %get3A_13 = arith.constant 0 : index
    %get3A_14 = arith.constant 0 : index
    %get3A_15 = vector.load %arg5[%get3A_11, %get3A_12, %get3A_13, %get3A_14] : memref<1x1x2048x64xf32, #tpu.memory_space<vmem>>, vector<1x1x2048x64xf32>
    %get3A_16 = vector.shape_cast %get3A_15 : vector<1x1x2048x64xf32> to vector<2048x64xf32>
    %dot_general3A = arith.constant dense<0.000000e+00> : vector<512x2048xf32>
    %dot_general3A_17 = tpu.matmul %get3A_4, %get3A_10, %dot_general3A {dimension_numbers = #tpu.dot_dimension_numbers<[1], [1], [0], [0], [0, 0, 1, 0], [], []>, transpose_lhs_hint = false} : vector<512x64xf32>, vector<2048x64xf32>, vector<512x2048xf32> -> vector<512x2048xf32>
    %mul3A = arith.constant 1.250000e-01 : f32
    %mul3A_18 = vector.broadcast %mul3A : f32 to vector<512x2048xf32>
    %mul3A_19 = arith.mulf %dot_general3A_17, %mul3A_18 : vector<512x2048xf32>
    %reduce_max3A = arith.constant dense<0xFF800000> : vector<512xf32>
    %reduce_max3A_20 = vector.multi_reduction <maximumf>, %mul3A_19, %reduce_max3A [1] : vector<512x2048xf32> to vector<512xf32>
    %broadcast_in_dim3A = vector.shape_cast %reduce_max3A_20 : vector<512xf32> to vector<512x1xf32>
    %sub3A = vector.broadcast %broadcast_in_dim3A : vector<512x1xf32> to vector<512x2048xf32>
    %sub3A_21 = arith.subf %mul3A_19, %sub3A : vector<512x2048xf32>
    %exp3A = math.exp %sub3A_21 : vector<512x2048xf32>
    %reduce_sum3A = arith.constant dense<0.000000e+00> : vector<512xf32>
    %reduce_sum3A_22 = vector.multi_reduction <add>, %exp3A, %reduce_sum3A [1] : vector<512x2048xf32> to vector<512xf32>
    %broadcast_in_dim3A_23 = vector.shape_cast %reduce_sum3A_22 : vector<512xf32> to vector<512x1xf32>
    %dot_general3A_24 = arith.constant dense<0.000000e+00> : vector<512x64xf32>
    %dot_general3A_25 = tpu.matmul %exp3A, %get3A_16, %dot_general3A_24 {dimension_numbers = #tpu.dot_dimension_numbers<[1], [0], [0], [1], [0, 0, 1, 1], [], []>, transpose_lhs_hint = false} : vector<512x2048xf32>, vector<2048x64xf32>, vector<512x64xf32> -> vector<512x64xf32>
    %div3A = vector.broadcast %broadcast_in_dim3A_23 : vector<512x1xf32> to vector<512x64xf32>
    %div3A_26 = arith.divf %dot_general3A_25, %div3A : vector<512x64xf32>
    %swap3A = arith.constant 0 : index
    %swap3A_27 = arith.constant 0 : index
    %swap3A_28 = arith.constant 0 : index
    %swap3A_29 = arith.constant 0 : index
    %swap3A_30 = vector.load %arg6[%swap3A, %swap3A_27, %swap3A_28, %swap3A_29] : memref<1x1x512x64xf32, #tpu.memory_space<vmem>>, vector<1x1x512x64xf32>
    %swap3A_31 = vector.shape_cast %swap3A_30 : vector<1x1x512x64xf32> to vector<512x64xf32>
    %swap3A_32 = vector.shape_cast %div3A_26 : vector<512x64xf32> to vector<1x1x512x64xf32>
    tpu.vector_store %arg6[%swap3A, %swap3A_27, %swap3A_28, %swap3A_29], %swap3A_32 {strides = array<i32>} : memref<1x1x512x64xf32, #tpu.memory_space<vmem>>, vector<1x1x512x64xf32>,
    return
  }
  func.func @transform_0(%arg0: i32, %arg1: i32, %arg2: i32) -> (i32, i32, i32, i32) {
    %c0_i32 = arith.constant 0 : i32
    %c0_i32_0 = arith.constant 0 : i32
    return %arg0, %arg1, %arg2, %c0_i32 : i32, i32, i32, i32
  }
  func.func @transform_1(%arg0: i32, %arg1: i32, %arg2: i32) -> (i32, i32, i32, i32) {
    %c0_i32 = arith.constant 0 : i32
    %c0_i32_0 = arith.constant 0 : i32
    %c0_i32_1 = arith.constant 0 : i32
    return %arg0, %arg1, %c0_i32, %c0_i32_0 : i32, i32, i32, i32
  }
  func.func @transform_2(%arg0: i32, %arg1: i32, %arg2: i32) -> (i32, i32, i32, i32) {
    %c0_i32 = arith.constant 0 : i32
    %c0_i32_0 = arith.constant 0 : i32
    %c0_i32_1 = arith.constant 0 : i32
    return %arg0, %arg1, %c0_i32, %c0_i32_0 : i32, i32, i32, i32
  }
  func.func @transform_3(%arg0: i32, %arg1: i32, %arg2: i32) -> (i32, i32, i32, i32) {
    %c0_i32 = arith.constant 0 : i32
    %c0_i32_0 = arith.constant 0 : i32
    return %arg0, %arg1, %arg2, %c0_i32 : i32, i32, i32, i32
  }
}

module attributes {stable_mosaic.version = 14 : i64} {
  func.func @_post_body(%arg0: i32, %arg1: memref<256x768xf32, #tpu.memory_space<vmem>>, %arg2: memref<256x768xf32, #tpu.memory_space<vmem>>, %arg3: memref<768x768xf32, #tpu.memory_space<vmem>>, %arg4: memref<1x768xf32, #tpu.memory_space<vmem>>, %arg5: memref<1x768xf32, #tpu.memory_space<vmem>>, %arg6: memref<64x768xf32, #tpu.memory_space<vmem>>, %arg7: memref<1x64xf32, #tpu.memory_space<vmem>>, %arg8: memref<256x768xf32, #tpu.memory_space<vmem>>, %arg9: memref<256x768xf32, #tpu.memory_space<vmem>>, %arg10: memref<256x1xi32, #tpu.memory_space<vmem>>, %arg11: memref<1x1xf32, #tpu.memory_space<vmem>>, %arg12: memref<1x64xf32, #tpu.memory_space<vmem>>) attributes {dimension_semantics = [#tpu.dimension_semantics<arbitrary>], iteration_bounds = array<i64: 16>, scalar_prefetch = 0 : i64, scratch_operands = 1 : i64, tpu.core_type = #tpu.core_type<tc>, window_params = [{transform_indices = @transform_0, window_bounds = array<i64: 256, 768>}, {transform_indices = @transform_1, window_bounds = array<i64: 256, 768>}, {pipeline_mode = #tpu.pipeline_mode<synchronous>, transform_indices = @transform_2, window_bounds = array<i64: 768, 768>}, {pipeline_mode = #tpu.pipeline_mode<synchronous>, transform_indices = @transform_3, window_bounds = array<i64: 1, 768>}, {pipeline_mode = #tpu.pipeline_mode<synchronous>, transform_indices = @transform_4, window_bounds = array<i64: 1, 768>}, {pipeline_mode = #tpu.pipeline_mode<synchronous>, transform_indices = @transform_5, window_bounds = array<i64: 64, 768>}, {pipeline_mode = #tpu.pipeline_mode<synchronous>, transform_indices = @transform_6, window_bounds = array<i64: 1, 64>}, {transform_indices = @transform_7, window_bounds = array<i64: 256, 768>}, {transform_indices = @transform_8, window_bounds = array<i64: 256, 768>}, {transform_indices = @transform_9, window_bounds = array<i64: 256, 1>}, {pipeline_mode = #tpu.pipeline_mode<synchronous>, transform_indices = @transform_10, window_bounds = array<i64: 1, 1>}]} {
    %get3A = arith.constant 0 : index
    %get3A_0 = arith.constant 0 : index
    %get3A_1 = vector.load %arg1[%get3A, %get3A_0] : memref<256x768xf32, #tpu.memory_space<vmem>>, vector<256x768xf32>
    %get3A_2 = arith.constant 0 : index
    %get3A_3 = arith.constant 0 : index
    %get3A_4 = vector.load %arg2[%get3A_2, %get3A_3] : memref<256x768xf32, #tpu.memory_space<vmem>>, vector<256x768xf32>
    %get3A_5 = arith.constant 0 : index
    %get3A_6 = arith.constant 0 : index
    %get3A_7 = vector.load %arg4[%get3A_5, %get3A_6] : memref<1x768xf32, #tpu.memory_space<vmem>>, vector<1x768xf32>
    %add3A = vector.broadcast %get3A_7 : vector<1x768xf32> to vector<256x768xf32>
    %add3A_8 = arith.addf %get3A_4, %add3A : vector<256x768xf32>
    %get3A_9 = arith.constant 0 : index
    %get3A_10 = arith.constant 0 : index
    %get3A_11 = vector.load %arg3[%get3A_9, %get3A_10] : memref<768x768xf32, #tpu.memory_space<vmem>>, vector<768x768xf32>
    %dot_general3A = arith.constant dense<0.000000e+00> : vector<256x768xf32>
    %dot_general3A_12 = tpu.matmul %get3A_1, %get3A_11, %dot_general3A {dimension_numbers = #tpu.dot_dimension_numbers<[1], [1], [0], [0], [0, 0, 1, 0], [], []>, transpose_lhs_hint = false} : vector<256x768xf32>, vector<768x768xf32>, vector<256x768xf32> -> vector<256x768xf32>
    %add3A_13 = arith.addf %add3A_8, %dot_general3A_12 : vector<256x768xf32>
    %swap3A = arith.constant 0 : index
    %swap3A_14 = arith.constant 0 : index
    %swap3A_15 = vector.load %arg8[%swap3A, %swap3A_14] : memref<256x768xf32, #tpu.memory_space<vmem>>, vector<256x768xf32>
    tpu.vector_store %arg8[%swap3A, %swap3A_14], %add3A_13 {strides = array<i32>} : memref<256x768xf32, #tpu.memory_space<vmem>>, vector<256x768xf32>,
    %mul3A = arith.mulf %add3A_13, %add3A_13 : vector<256x768xf32>
    %reduce_sum3A = arith.constant dense<0.000000e+00> : vector<256xf32>
    %reduce_sum3A_16 = vector.multi_reduction <add>, %mul3A, %reduce_sum3A [1] : vector<256x768xf32> to vector<256xf32>
    %broadcast_in_dim3A = vector.shape_cast %reduce_sum3A_16 : vector<256xf32> to vector<256x1xf32>
    %div3A = arith.constant 7.680000e+02 : f32
    %div3A_17 = vector.broadcast %div3A : f32 to vector<256x1xf32>
    %div3A_18 = arith.divf %broadcast_in_dim3A, %div3A_17 : vector<256x1xf32>
    %add3A_19 = arith.constant 1.1920929E-7 : f32
    %add3A_20 = vector.broadcast %add3A_19 : f32 to vector<256x1xf32>
    %add3A_21 = arith.addf %div3A_18, %add3A_20 : vector<256x1xf32>
    %rsqrt3A = math.rsqrt %add3A_21 : vector<256x1xf32>
    %mul3A_22 = vector.broadcast %rsqrt3A : vector<256x1xf32> to vector<256x768xf32>
    %mul3A_23 = arith.mulf %add3A_13, %mul3A_22 : vector<256x768xf32>
    %get3A_24 = arith.constant 0 : index
    %get3A_25 = arith.constant 0 : index
    %get3A_26 = vector.load %arg5[%get3A_24, %get3A_25] : memref<1x768xf32, #tpu.memory_space<vmem>>, vector<1x768xf32>
    %mul3A_27 = vector.broadcast %get3A_26 : vector<1x768xf32> to vector<256x768xf32>
    %mul3A_28 = arith.mulf %mul3A_23, %mul3A_27 : vector<256x768xf32>
    %swap3A_29 = arith.constant 0 : index
    %swap3A_30 = arith.constant 0 : index
    %swap3A_31 = vector.load %arg9[%swap3A_29, %swap3A_30] : memref<256x768xf32, #tpu.memory_space<vmem>>, vector<256x768xf32>
    tpu.vector_store %arg9[%swap3A_29, %swap3A_30], %mul3A_28 {strides = array<i32>} : memref<256x768xf32, #tpu.memory_space<vmem>>, vector<256x768xf32>,
    %get3A_32 = arith.constant 0 : index
    %get3A_33 = arith.constant 0 : index
    %get3A_34 = vector.load %arg6[%get3A_32, %get3A_33] : memref<64x768xf32, #tpu.memory_space<vmem>>, vector<64x768xf32>
    %dot_general3A_35 = arith.constant dense<0.000000e+00> : vector<256x64xf32>
    %dot_general3A_36 = tpu.matmul %mul3A_28, %get3A_34, %dot_general3A_35 {dimension_numbers = #tpu.dot_dimension_numbers<[1], [1], [0], [0], [0, 0, 1, 0], [], []>, transpose_lhs_hint = false} : vector<256x768xf32>, vector<64x768xf32>, vector<256x64xf32> -> vector<256x64xf32>
    %get3A_37 = arith.constant 0 : index
    %get3A_38 = arith.constant 0 : index
    %get3A_39 = vector.load %arg7[%get3A_37, %get3A_38] : memref<1x64xf32, #tpu.memory_space<vmem>>, vector<1x64xf32>
    %add3A_40 = vector.broadcast %get3A_39 : vector<1x64xf32> to vector<256x64xf32>
    %add3A_41 = arith.addf %dot_general3A_36, %add3A_40 : vector<256x64xf32>
    %reduce_max3A = arith.constant dense<0xFF800000> : vector<256xf32>
    %reduce_max3A_42 = vector.multi_reduction <maximumf>, %add3A_41, %reduce_max3A [1] : vector<256x64xf32> to vector<256xf32>
    %broadcast_in_dim3A_43 = vector.shape_cast %reduce_max3A_42 : vector<256xf32> to vector<256x1xf32>
    %sub3A = vector.broadcast %broadcast_in_dim3A_43 : vector<256x1xf32> to vector<256x64xf32>
    %sub3A_44 = arith.subf %add3A_41, %sub3A : vector<256x64xf32>
    %exp3A = math.exp %sub3A_44 : vector<256x64xf32>
    %reduce_sum3A_45 = arith.constant dense<0.000000e+00> : vector<256xf32>
    %reduce_sum3A_46 = vector.multi_reduction <add>, %exp3A, %reduce_sum3A_45 [1] : vector<256x64xf32> to vector<256xf32>
    %broadcast_in_dim3A_47 = vector.shape_cast %reduce_sum3A_46 : vector<256xf32> to vector<256x1xf32>
    %div3A_48 = vector.broadcast %broadcast_in_dim3A_47 : vector<256x1xf32> to vector<256x64xf32>
    %div3A_49 = arith.divf %exp3A, %div3A_48 : vector<256x64xf32>
    %argmax3A = tpu.reduce_index %add3A_41 {axis = 1 : i32, kind = #tpu.reduction_kind<arg_max>} : vector<256x64xf32> -> vector<256xi32>
    %broadcast_in_dim3A_50 = vector.shape_cast %argmax3A : vector<256xi32> to vector<256x1xi32>
    %swap3A_51 = arith.constant 0 : index
    %swap3A_52 = arith.constant 0 : index
    %swap3A_53 = vector.load %arg10[%swap3A_51, %swap3A_52] : memref<256x1xi32, #tpu.memory_space<vmem>>, vector<256x1xi32>
    tpu.vector_store %arg10[%swap3A_51, %swap3A_52], %broadcast_in_dim3A_50 {strides = array<i32>} : memref<256x1xi32, #tpu.memory_space<vmem>>, vector<256x1xi32>,
    %reduce_sum3A_54 = arith.constant dense<0.000000e+00> : vector<64xf32>
    %reduce_sum3A_55 = vector.multi_reduction <add>, %div3A_49, %reduce_sum3A_54 [0] : vector<256x64xf32> to vector<64xf32>
    %broadcast_in_dim3A_56 = vector.shape_cast %reduce_sum3A_55 : vector<64xf32> to vector<1x64xf32>
    %eq3A = arith.constant 0 : i32
    %eq3A_57 = arith.cmpi eq, %arg0, %eq3A : i32
    %convert_element_type3A = arith.extui %eq3A_57 : i1 to i32
    %cond3A = arith.constant 0 : i32
    %cond3A_58 = arith.cmpi ne, %convert_element_type3A, %cond3A : i32
    scf.if %cond3A_58 {
      %swap3A_68 = arith.constant 0 : index
      %swap3A_69 = arith.constant 0 : index
      %swap3A_70 = vector.load %arg12[%swap3A_68, %swap3A_69] : memref<1x64xf32, #tpu.memory_space<vmem>>, vector<1x64xf32>
      tpu.vector_store %arg12[%swap3A_68, %swap3A_69], %broadcast_in_dim3A_56 {strides = array<i32>} : memref<1x64xf32, #tpu.memory_space<vmem>>, vector<1x64xf32>,
    } else {
    }
    %gt3A = arith.constant 0 : i32
    %gt3A_59 = arith.cmpi sgt, %arg0, %gt3A : i32
    %convert_element_type3A_60 = arith.extui %gt3A_59 : i1 to i32
    %cond3A_61 = arith.constant 0 : i32
    %cond3A_62 = arith.cmpi ne, %convert_element_type3A_60, %cond3A_61 : i32
    scf.if %cond3A_62 {
      %get3A_68 = arith.constant 0 : index
      %get3A_69 = arith.constant 0 : index
      %get3A_70 = vector.load %arg12[%get3A_68, %get3A_69] : memref<1x64xf32, #tpu.memory_space<vmem>>, vector<1x64xf32>
      %add3A_71 = arith.addf %get3A_70, %broadcast_in_dim3A_56 : vector<1x64xf32>
      %swap3A_72 = arith.constant 0 : index
      %swap3A_73 = arith.constant 0 : index
      %swap3A_74 = vector.load %arg12[%swap3A_72, %swap3A_73] : memref<1x64xf32, #tpu.memory_space<vmem>>, vector<1x64xf32>
      tpu.vector_store %arg12[%swap3A_72, %swap3A_73], %add3A_71 {strides = array<i32>} : memref<1x64xf32, #tpu.memory_space<vmem>>, vector<1x64xf32>,
    } else {
    }
    %eq3A_63 = arith.constant 15 : i32
    %eq3A_64 = arith.cmpi eq, %arg0, %eq3A_63 : i32
    %convert_element_type3A_65 = arith.extui %eq3A_64 : i1 to i32
    %cond3A_66 = arith.constant 0 : i32
    %cond3A_67 = arith.cmpi ne, %convert_element_type3A_65, %cond3A_66 : i32
    scf.if %cond3A_67 {
      %get3A_68 = arith.constant 0 : index
      %get3A_69 = arith.constant 0 : index
      %get3A_70 = vector.load %arg12[%get3A_68, %get3A_69] : memref<1x64xf32, #tpu.memory_space<vmem>>, vector<1x64xf32>
      %mul3A_71 = arith.constant 2.44140625E-4 : f32
      %mul3A_72 = vector.broadcast %mul3A_71 : f32 to vector<1x64xf32>
      %mul3A_73 = arith.mulf %get3A_70, %mul3A_72 : vector<1x64xf32>
      %log3A = math.log %mul3A_73 : vector<1x64xf32>
      %mul3A_74 = arith.mulf %mul3A_73, %log3A : vector<1x64xf32>
      %reduce_sum3A_75 = arith.constant dense<0.000000e+00> : vector<1xf32>
      %reduce_sum3A_76 = vector.multi_reduction <add>, %mul3A_74, %reduce_sum3A_75 [1] : vector<1x64xf32> to vector<1xf32>
      %broadcast_in_dim3A_77 = vector.shape_cast %reduce_sum3A_76 : vector<1xf32> to vector<1x1xf32>
      %mul3A_78 = arith.constant 6.400000e+01 : f32
      %mul3A_79 = vector.broadcast %mul3A_78 : f32 to vector<1x1xf32>
      %mul3A_80 = arith.mulf %mul3A_79, %broadcast_in_dim3A_77 : vector<1x1xf32>
      %swap3A_81 = arith.constant 0 : index
      %swap3A_82 = arith.constant 0 : index
      %swap3A_83 = vector.load %arg11[%swap3A_81, %swap3A_82] : memref<1x1xf32, #tpu.memory_space<vmem>>, vector<1x1xf32>
      tpu.vector_store %arg11[%swap3A_81, %swap3A_82], %mul3A_80 {strides = array<i32>} : memref<1x1xf32, #tpu.memory_space<vmem>>, vector<1x1xf32>,
    } else {
    }
    return
  }
  func.func @transform_0(%arg0: i32) -> (i32, i32) {
    %c0_i32 = arith.constant 0 : i32
    %c0_i32_0 = arith.constant 0 : i32
    return %arg0, %c0_i32 : i32, i32
  }
  func.func @transform_1(%arg0: i32) -> (i32, i32) {
    %c0_i32 = arith.constant 0 : i32
    %c0_i32_0 = arith.constant 0 : i32
    return %arg0, %c0_i32 : i32, i32
  }
  func.func @transform_2(%arg0: i32) -> (i32, i32) {
    %c0_i32 = arith.constant 0 : i32
    %c0_i32_0 = arith.constant 0 : i32
    %c0_i32_1 = arith.constant 0 : i32
    return %c0_i32, %c0_i32_0 : i32, i32
  }
  func.func @transform_3(%arg0: i32) -> (i32, i32) {
    %c0_i32 = arith.constant 0 : i32
    %c0_i32_0 = arith.constant 0 : i32
    %c0_i32_1 = arith.constant 0 : i32
    return %c0_i32, %c0_i32_0 : i32, i32
  }
  func.func @transform_4(%arg0: i32) -> (i32, i32) {
    %c0_i32 = arith.constant 0 : i32
    %c0_i32_0 = arith.constant 0 : i32
    %c0_i32_1 = arith.constant 0 : i32
    return %c0_i32, %c0_i32_0 : i32, i32
  }
  func.func @transform_5(%arg0: i32) -> (i32, i32) {
    %c0_i32 = arith.constant 0 : i32
    %c0_i32_0 = arith.constant 0 : i32
    %c0_i32_1 = arith.constant 0 : i32
    return %c0_i32, %c0_i32_0 : i32, i32
  }
  func.func @transform_6(%arg0: i32) -> (i32, i32) {
    %c0_i32 = arith.constant 0 : i32
    %c0_i32_0 = arith.constant 0 : i32
    %c0_i32_1 = arith.constant 0 : i32
    return %c0_i32, %c0_i32_0 : i32, i32
  }
  func.func @transform_7(%arg0: i32) -> (i32, i32) {
    %c0_i32 = arith.constant 0 : i32
    %c0_i32_0 = arith.constant 0 : i32
    return %arg0, %c0_i32 : i32, i32
  }
  func.func @transform_8(%arg0: i32) -> (i32, i32) {
    %c0_i32 = arith.constant 0 : i32
    %c0_i32_0 = arith.constant 0 : i32
    return %arg0, %c0_i32 : i32, i32
  }
  func.func @transform_9(%arg0: i32) -> (i32, i32) {
    %c0_i32 = arith.constant 0 : i32
    %c0_i32_0 = arith.constant 0 : i32
    return %arg0, %c0_i32 : i32, i32
  }
  func.func @transform_10(%arg0: i32) -> (i32, i32) {
    %c0_i32 = arith.constant 0 : i32
    %c0_i32_0 = arith.constant 0 : i32
    %c0_i32_1 = arith.constant 0 : i32
    return %c0_i32, %c0_i32_0 : i32, i32
  }
}

module attributes {stable_mosaic.version = 14 : i64} {
  func.func @_expert_body(%arg0: i32, %arg1: memref<128xi32, #tpu.memory_space<smem>>, %arg2: memref<128xi32, #tpu.memory_space<smem>>, %arg3: memref<64x768xf32, #tpu.memory_space<vmem>>, %arg4: memref<1x1536x768xf32, #tpu.memory_space<vmem>>, %arg5: memref<1x1x1536xf32, #tpu.memory_space<vmem>>, %arg6: memref<1x768x1536xf32, #tpu.memory_space<vmem>>, %arg7: memref<1x1x768xf32, #tpu.memory_space<vmem>>, %arg8: memref<64x768xf32, #tpu.memory_space<vmem>>) attributes {dimension_semantics = [#tpu.dimension_semantics<arbitrary>], iteration_bounds = array<i64: 128>, scalar_prefetch = 2 : i64, scratch_operands = 0 : i64, tpu.core_type = #tpu.core_type<tc>, window_params = [{transform_indices = @transform_0, window_bounds = array<i64: 64, 768>}, {transform_indices = @transform_1, window_bounds = array<i64: 1, 1536, 768>}, {transform_indices = @transform_2, window_bounds = array<i64: 1, 1, 1536>}, {transform_indices = @transform_3, window_bounds = array<i64: 1, 768, 1536>}, {transform_indices = @transform_4, window_bounds = array<i64: 1, 1, 768>}, {transform_indices = @transform_5, window_bounds = array<i64: 64, 768>}]} {
    %get3A = arith.index_cast %arg0 : i32 to index
    %get3A_0 = memref.load %arg2[%get3A] : memref<128xi32, #tpu.memory_space<smem>>
    %ne3A = arith.constant 0 : i32
    %ne3A_1 = arith.cmpi ne, %get3A_0, %ne3A : i32
    %convert_element_type3A = arith.extui %ne3A_1 : i1 to i32
    %cond3A = arith.constant 0 : i32
    %cond3A_2 = arith.cmpi ne, %convert_element_type3A, %cond3A : i32
    scf.if %cond3A_2 {
      %get3A_3 = arith.constant 0 : index
      %get3A_4 = arith.constant 0 : index
      %get3A_5 = vector.load %arg3[%get3A_3, %get3A_4] : memref<64x768xf32, #tpu.memory_space<vmem>>, vector<64x768xf32>
      %get3A_6 = arith.constant 0 : index
      %get3A_7 = arith.constant 0 : index
      %get3A_8 = arith.constant 0 : index
      %get3A_9 = vector.load %arg4[%get3A_6, %get3A_7, %get3A_8] : memref<1x1536x768xf32, #tpu.memory_space<vmem>>, vector<1x1536x768xf32>
      %get3A_10 = vector.shape_cast %get3A_9 : vector<1x1536x768xf32> to vector<1536x768xf32>
      %dot_general3A = arith.constant dense<0.000000e+00> : vector<64x1536xf32>
      %dot_general3A_11 = tpu.matmul %get3A_5, %get3A_10, %dot_general3A {dimension_numbers = #tpu.dot_dimension_numbers<[1], [1], [0], [0], [0, 0, 1, 0], [], []>, transpose_lhs_hint = false} : vector<64x768xf32>, vector<1536x768xf32>, vector<64x1536xf32> -> vector<64x1536xf32>
      %get3A_12 = arith.constant 0 : index
      %get3A_13 = arith.constant 0 : index
      %get3A_14 = arith.constant 0 : index
      %get3A_15 = vector.load %arg5[%get3A_12, %get3A_13, %get3A_14] : memref<1x1x1536xf32, #tpu.memory_space<vmem>>, vector<1x1x1536xf32>
      %get3A_16 = vector.shape_cast %get3A_15 : vector<1x1x1536xf32> to vector<1x1536xf32>
      %add3A = vector.broadcast %get3A_16 : vector<1x1536xf32> to vector<64x1536xf32>
      %add3A_17 = arith.addf %dot_general3A_11, %add3A : vector<64x1536xf32>
      %mul3A = arith.constant 5.000000e-01 : f32
      %mul3A_18 = vector.broadcast %mul3A : f32 to vector<64x1536xf32>
      %mul3A_19 = arith.mulf %mul3A_18, %add3A_17 : vector<64x1536xf32>
      %mul3A_20 = arith.constant 0.707106769 : f32
      %mul3A_21 = vector.broadcast %mul3A_20 : f32 to vector<64x1536xf32>
      %mul3A_22 = arith.mulf %add3A_17, %mul3A_21 : vector<64x1536xf32>
      %erf3A = math.erf %mul3A_22 : vector<64x1536xf32>
      %add3A_23 = arith.constant 1.000000e+00 : f32
      %add3A_24 = vector.broadcast %add3A_23 : f32 to vector<64x1536xf32>
      %add3A_25 = arith.addf %add3A_24, %erf3A : vector<64x1536xf32>
      %mul3A_26 = arith.mulf %mul3A_19, %add3A_25 : vector<64x1536xf32>
      %get3A_27 = arith.constant 0 : index
      %get3A_28 = arith.constant 0 : index
      %get3A_29 = arith.constant 0 : index
      %get3A_30 = vector.load %arg6[%get3A_27, %get3A_28, %get3A_29] : memref<1x768x1536xf32, #tpu.memory_space<vmem>>, vector<1x768x1536xf32>
      %get3A_31 = vector.shape_cast %get3A_30 : vector<1x768x1536xf32> to vector<768x1536xf32>
      %dot_general3A_32 = arith.constant dense<0.000000e+00> : vector<64x768xf32>
      %dot_general3A_33 = tpu.matmul %mul3A_26, %get3A_31, %dot_general3A_32 {dimension_numbers = #tpu.dot_dimension_numbers<[1], [1], [0], [0], [0, 0, 1, 0], [], []>, transpose_lhs_hint = false} : vector<64x1536xf32>, vector<768x1536xf32>, vector<64x768xf32> -> vector<64x768xf32>
      %get3A_34 = arith.constant 0 : index
      %get3A_35 = arith.constant 0 : index
      %get3A_36 = arith.constant 0 : index
      %get3A_37 = vector.load %arg7[%get3A_34, %get3A_35, %get3A_36] : memref<1x1x768xf32, #tpu.memory_space<vmem>>, vector<1x1x768xf32>
      %get3A_38 = vector.shape_cast %get3A_37 : vector<1x1x768xf32> to vector<1x768xf32>
      %add3A_39 = vector.broadcast %get3A_38 : vector<1x768xf32> to vector<64x768xf32>
      %add3A_40 = arith.addf %dot_general3A_33, %add3A_39 : vector<64x768xf32>
      %swap3A = arith.constant 0 : index
      %swap3A_41 = arith.constant 0 : index
      %swap3A_42 = vector.load %arg8[%swap3A, %swap3A_41] : memref<64x768xf32, #tpu.memory_space<vmem>>, vector<64x768xf32>
      tpu.vector_store %arg8[%swap3A, %swap3A_41], %add3A_40 {strides = array<i32>} : memref<64x768xf32, #tpu.memory_space<vmem>>, vector<64x768xf32>,
    } else {
    }
    return
  }
  func.func @transform_0(%arg0: i32, %arg1: memref<128xi32, #tpu.memory_space<smem>>, %arg2: memref<128xi32, #tpu.memory_space<smem>>) -> (i32, i32) {
    %c0_i32 = arith.constant 0 : i32
    %c0_i32_0 = arith.constant 0 : i32
    return %arg0, %c0_i32 : i32, i32
  }
  func.func @transform_1(%arg0: i32, %arg1: memref<128xi32, #tpu.memory_space<smem>>, %arg2: memref<128xi32, #tpu.memory_space<smem>>) -> (i32, i32, i32) {
    %get3A = arith.index_cast %arg0 : i32 to index
    %get3A_0 = memref.load %arg1[%get3A] : memref<128xi32, #tpu.memory_space<smem>>
    %c0_i32 = arith.constant 0 : i32
    %c0_i32_1 = arith.constant 0 : i32
    %c0_i32_2 = arith.constant 0 : i32
    return %get3A_0, %c0_i32, %c0_i32_1 : i32, i32, i32
  }
  func.func @transform_2(%arg0: i32, %arg1: memref<128xi32, #tpu.memory_space<smem>>, %arg2: memref<128xi32, #tpu.memory_space<smem>>) -> (i32, i32, i32) {
    %get3A = arith.index_cast %arg0 : i32 to index
    %get3A_0 = memref.load %arg1[%get3A] : memref<128xi32, #tpu.memory_space<smem>>
    %c0_i32 = arith.constant 0 : i32
    %c0_i32_1 = arith.constant 0 : i32
    %c0_i32_2 = arith.constant 0 : i32
    return %get3A_0, %c0_i32, %c0_i32_1 : i32, i32, i32
  }
  func.func @transform_3(%arg0: i32, %arg1: memref<128xi32, #tpu.memory_space<smem>>, %arg2: memref<128xi32, #tpu.memory_space<smem>>) -> (i32, i32, i32) {
    %get3A = arith.index_cast %arg0 : i32 to index
    %get3A_0 = memref.load %arg1[%get3A] : memref<128xi32, #tpu.memory_space<smem>>
    %c0_i32 = arith.constant 0 : i32
    %c0_i32_1 = arith.constant 0 : i32
    %c0_i32_2 = arith.constant 0 : i32
    return %get3A_0, %c0_i32, %c0_i32_1 : i32, i32, i32
  }
  func.func @transform_4(%arg0: i32, %arg1: memref<128xi32, #tpu.memory_space<smem>>, %arg2: memref<128xi32, #tpu.memory_space<smem>>) -> (i32, i32, i32) {
    %get3A = arith.index_cast %arg0 : i32 to index
    %get3A_0 = memref.load %arg1[%get3A] : memref<128xi32, #tpu.memory_space<smem>>
    %c0_i32 = arith.constant 0 : i32
    %c0_i32_1 = arith.constant 0 : i32
    %c0_i32_2 = arith.constant 0 : i32
    return %get3A_0, %c0_i32, %c0_i32_1 : i32, i32, i32
  }
  func.func @transform_5(%arg0: i32, %arg1: memref<128xi32, #tpu.memory_space<smem>>, %arg2: memref<128xi32, #tpu.memory_space<smem>>) -> (i32, i32) {
    %c0_i32 = arith.constant 0 : i32
    %c0_i32_0 = arith.constant 0 : i32
    return %arg0, %c0_i32 : i32, i32
  }
}

module attributes {stable_mosaic.version = 14 : i64} {
  func.func @_add_body(%arg0: i32, %arg1: memref<256x768xf32, #tpu.memory_space<vmem>>, %arg2: memref<256x768xf32, #tpu.memory_space<vmem>>, %arg3: memref<256x768xf32, #tpu.memory_space<vmem>>) attributes {dimension_semantics = [#tpu.dimension_semantics<arbitrary>], iteration_bounds = array<i64: 16>, scalar_prefetch = 0 : i64, scratch_operands = 0 : i64, tpu.core_type = #tpu.core_type<tc>, window_params = [{transform_indices = @transform_0, window_bounds = array<i64: 256, 768>}, {transform_indices = @transform_1, window_bounds = array<i64: 256, 768>}, {transform_indices = @transform_2, window_bounds = array<i64: 256, 768>}]} {
    %get3A = arith.constant 0 : index
    %get3A_0 = arith.constant 0 : index
    %get3A_1 = vector.load %arg1[%get3A, %get3A_0] : memref<256x768xf32, #tpu.memory_space<vmem>>, vector<256x768xf32>
    %get3A_2 = arith.constant 0 : index
    %get3A_3 = arith.constant 0 : index
    %get3A_4 = vector.load %arg2[%get3A_2, %get3A_3] : memref<256x768xf32, #tpu.memory_space<vmem>>, vector<256x768xf32>
    %add3A = arith.addf %get3A_1, %get3A_4 : vector<256x768xf32>
    %swap3A = arith.constant 0 : index
    %swap3A_5 = arith.constant 0 : index
    %swap3A_6 = vector.load %arg3[%swap3A, %swap3A_5] : memref<256x768xf32, #tpu.memory_space<vmem>>, vector<256x768xf32>
    tpu.vector_store %arg3[%swap3A, %swap3A_5], %add3A {strides = array<i32>} : memref<256x768xf32, #tpu.memory_space<vmem>>, vector<256x768xf32>,
    return
  }
  func.func @transform_0(%arg0: i32) -> (i32, i32) {
    %c0_i32 = arith.constant 0 : i32
    %c0_i32_0 = arith.constant 0 : i32
    return %arg0, %c0_i32 : i32, i32
  }
  func.func @transform_1(%arg0: i32) -> (i32, i32) {
    %c0_i32 = arith.constant 0 : i32
    %c0_i32_0 = arith.constant 0 : i32
    return %arg0, %c0_i32 : i32, i32
  }
  func.func @transform_2(%arg0: i32) -> (i32, i32) {
    %c0_i32 = arith.constant 0 : i32
    %c0_i32_0 = arith.constant 0 : i32
    return %arg0, %c0_i32 : i32, i32
  }
}

</mosaic_0001>

<sc_bundles>
// kernel: gather_offload_async_start
scs
__scs_entry_jumppad:
0x0: {  	(pc) =	sbr.rel $0x88, $3  }
0x1: {  	(tag) =	ssettag $0x0;
	lr =	simm.s32 $0x1  }
0x2: {  	[smem:$0x3F94] =	sst lr;
	_ =	strace $0xD0000000  }
0x3: {  	_ = 	snop  }
0x4: {  	_ = 	snop  }
0x5: {  	_ = 	snop  }
0x6: {  	_ = 	snop  }
0x7: {  	_ = 	snop  }
__scs_overlays_trampoline_lowered:
0x8: {  	[smem:$0x3FA3] =	sst s0  }
0x9: {  	[smem:$0x3FA4] =	sst s1  }
0xa: {  	[smem:$0x3FA5] =	sst s2  }
0xb: {  	[smem:$0x3FA6] =	sst s3  }
0xc: {  	[smem:$0x3FA7] =	sst s4  }
0xd: {  	[smem:$0x3FA8] =	sst s5  }
0xe: {  	[smem:$0x3FA9] =	sst s6  }
0xf: {  	[smem:$0x3FAA] =	sst s7  }
0x10: {  	[smem:$0x3FAB] =	sst s8  }
0x11: {  	[smem:$0x3FAC] =	sst s9;
	s0 =	simm.s32 @!p0 $0x0  }
0x12: {  	s1 =	sld [smem:$0x3F92];
	s0 =	simm.s32 @p0 $0x1  }
0x13: {  	[smem:$0x3FAD] =	sst s0;
	s0 =	simm.s32 @!p1 $0x0  }
0x14: {  	s2 =	sld [smem:$0x3F91];
	s0 =	simm.s32 @p1 $0x1  }
0x15: {  	[smem:$0x3FAE] =	sst s0;
	s0 =	simm.s32 @!p2 $0x0  }
0x16: {  	s3 =	sld [smem:$0x3FDB];
	s0 =	simm.s32 @p2 $0x1  }
0x17: {  	s4 =	simm.s32 $0x1BF5;
	[smem:$0x3FB0] =	sst s0  }
0x18: {  	s0 =	sld [smem:$0x3F93];
	_ =	swait.ge [sflag:s4], $0x0  }
0x19: {  	s7 =	sld [smem:$0x3F94]  }
0x1a: {  	s8 =	sadd.s32 $0xFFFFE003, lr  }
0x1b: {  	s9 =	sadd.s32 $0xFFFFFEF7, lr;
	s5 =	simm.s32 $0xFFFFFFFF;
	p2 =	slt.u32 s8, $0xFFFFF086  }
0x1c: {  	p1 =	slt.u32 s9, $0xF7A;
	s5 =	simm.s32 @!p2 $0x0  }
0x1d: {  	s5 =	simm.s32 @p1 $0x1;
	p0 =	seq.s32 s7, s2  }
0x1e: {  	s7 =	smul.u32 @!p0 $0xF7A, s2;
	p2 =	seq.s32 @!p0 s5, $0x0  }
0x1f: {  	s9 =	smul.u32 $0xF7A, s1;
	s8 =	simm.s32 @!p0 $0x1BF5;
	p2 =	por !p2, p0  }
0x20: {  	[sflag:s8] =	ssyncset.s32 @!p0 $0xFFFFF086;
	s6 =	sadd.s32 @!p0 s3, s7;
	s7 =	simm.s32 @!p0 $0x108  }
0x21: {  	s3 =	sadd.s32 s3, s9;
	s6 =	sadd.s32 @!p0 $0x88, s6;
	s7 =	simm.s32 @p2 $0x1082  }
0x22: {  	[simem:s7], [sflag:s8] =	dma.local @!p0 [hbm:s6], $0xF7A  }
0x23: {  	s9 =	sor.u32 $0xD0000000, s2;
	s6 =	simm.s32 $0x108;
	_ =	swait.ge @!p0 [sflag:s8], $0x0  }
0x24: {  	s3 =	sadd.s32 $0x88, s3;
	s6 =	simm.s32 @!p1 $0x1082;
	[sflag:s4] =	ssyncset.s32 $0xFFFFF086  }
0x25: {  	[simem:s6], [sflag:s4] =	dma.local [hbm:s3], $0xF7A  }
0x26: {  	[smem:$0x3F94] =	sst s1;
	(tag) =	ssettag s2;
	_ =	strace s9  }
0x27: {  	s1 =	sld [smem:$0x3FA4]  }
0x28: {  	s2 =	sld [smem:$0x3FA5]  }
0x29: {  	s4 =	sld [smem:$0x3FA7]  }
0x2a: {  	p0 =	seq.s32 s5, $0x0;
	s5 =	sld [smem:$0x3FA8]  }
0x2b: {  	s6 =	sld [smem:$0x3FA9]  }
0x2c: {  	s7 =	sld [smem:$0x3FAA]  }
0x2d: {  	s3 =	simm.s32 $0x108;
	s8 =	sld [smem:$0x3FAB]  }
0x2e: {  	s3 =	simm.s32 @!p0 $0x1082;
	s9 =	sld [smem:$0x3FAC]  }
0x2f: {  	lr =	sadd.s32 s0, s3;
	s0 =	sld [smem:$0x3FA3]  }
0x30: {  	s3 =	sld [smem:$0x3FA6]  }
0x31: {  	[smem:$0x3FAF] =	sst s10  }
0x32: {  	s10 =	sld [smem:$0x3FAD];
	_ =	sdelay $0x3  }
0x33: {  	p0 =	seq.s32 s10, $0x1;
	s10 =	sld [smem:$0x3FAF];
	_ =	sdelay $0x3  }
0x34: {  	[smem:$0x3FAF] =	sst s10  }
0x35: {  	s10 =	sld [smem:$0x3FAE];
	_ =	sdelay $0x3  }
0x36: {  	p1 =	seq.s32 s10, $0x1;
	s10 =	sld [smem:$0x3FAF];
	_ =	sdelay $0x3  }
0x37: {  	[smem:$0x3FAF] =	sst s10  }
0x38: {  	s10 =	sld [smem:$0x3FB0]  }
0x39: {  	_ = 	snop;
	(pc) =	sbr.ind lr, $3  }
0x3a: {  	_ = 	snop  }
0x3b: {  	_ = 	snop  }
0x3c: {  	p2 =	seq.s32 s10, $0x1;
	s10 =	sld [smem:$0x3FAF]  }
0x3d: {  	_ =	shalt  }
0x3e: {  	_ =	shalt  }
0x3f: {  	_ =	shalt  }
0x40: {  	_ =	shalt  }
0x41: {  	_ =	shalt  }
0x42: {  	_ =	shalt  }
0x43: {  	_ =	shalt  }
0x44: {  	_ =	shalt  }
0x45: {  	_ =	shalt  }
0x46: {  	_ =	shalt  }
0x47: {  	_ =	shalt  }
0x48: {  	_ =	shalt  }
0x49: {  	_ =	shalt  }
0x4a: {  	_ =	shalt  }
0x4b: {  	_ =	shalt  }
0x4c: {  	_ =	shalt  }
0x4d: {  	_ =	shalt  }
0x4e: {  	_ =	shalt  }
0x4f: {  	_ =	shalt  }
0x50: {  	_ =	shalt  }
0x51: {  	_ =	shalt  }
0x52: {  	_ =	shalt  }
0x53: {  	_ =	shalt  }
0x54: {  	_ =	shalt  }
0x55: {  	_ =	shalt  }
0x56: {  	_ =	shalt  }
0x57: {  	_ =	shalt  }
0x58: {  	_ =	shalt  }
0x59: {  	_ =	shalt  }
0x5a: {  	_ =	shalt  }
0x5b: {  	_ =	shalt  }
0x5c: {  	_ =	shalt  }
0x5d: {  	_ =	shalt  }
0x5e: {  	_ =	shalt  }
0x5f: {  	_ =	shalt  }
0x60: {  	_ =	shalt  }
0x61: {  	_ =	shalt  }
0x62: {  	_ =	shalt  }
0x63: {  	_ =	shalt  }
0x64: {  	_ =	shalt  }
0x65: {  	_ =	shalt  }
0x66: {  	_ =	shalt  }
0x67: {  	_ =	shalt  }
0x68: {  	_ =	shalt  }
0x69: {  	_ =	shalt  }
0x6a: {  	_ =	shalt  }
0x6b: {  	_ =	shalt  }
0x6c: {  	_ =	shalt  }
0x6d: {  	_ =	shalt  }
0x6e: {  	_ =	shalt  }
0x6f: {  	_ =	shalt  }
0x70: {  	_ =	shalt  }
0x71: {  	_ =	shalt  }
0x72: {  	_ =	shalt  }
0x73: {  	_ =	shalt  }
0x74: {  	_ =	shalt  }
0x75: {  	_ =	shalt  }
0x76: {  	_ =	shalt  }
0x77: {  	_ =	shalt  }
0x78: {  	_ =	shalt  }
0x79: {  	_ =	shalt  }
0x7a: {  	_ =	shalt  }
0x7b: {  	_ =	shalt  }
0x7c: {  	_ =	shalt  }
0x7d: {  	_ =	shalt  }
0x7e: {  	_ =	shalt  }
0x7f: {  	_ =	shalt  }
0x80: {  	_ =	shalt  }
0x81: {  	_ =	shalt  }
0x82: {  	_ =	shalt  }
0x83: {  	_ =	shalt  }
0x84: {  	_ =	shalt  }
0x85: {  	_ =	shalt  }
0x86: {  	_ =	shalt  }
0x87: {  	_ =	shalt  }
.Lfunc_end0:
.L_simem_size_0:
called_computation.1_lowered:
.L_overlay_start_0:
0x88: {  	s2 =	sld [smem:$0x3FD9]  }
0x89: {  	s3 =	sld [smem:$0x3FFE];
	_ =	sdelay $0x1  }
0x8a: {  	s1 =	srdreg.scid  }
0x8b: {  	s0 =	sand.u32 $0x1, s1  }
0x8c: {  	s16 =	sshll.u32 s0, $0xA;
	s2 =	sadd.s32 s3, s2  }
0x8d: {  	s2 =	sadd.s32 s2, s16  }
0x8e: {  	[smem:$0x3FBB] =	sst s2  }
0x8f: {  	_ = 	snop  }
0x90: {  	(tm) =	ssettm $0x1  }
0x91: {  	s17 =	sld [smem:$0x3FFB];
	_ =	sdelay $0x3  }
0x92: {  	_ =	strace s17  }
0x93: {  	s2 =	sld [smem:$0x3FFC];
	_ =	sdelay $0x3  }
0x94: {  	_ =	strace s2  }
0x95: {  	s2 =	sld [smem:$0x3FFD];
	_ =	sdelay $0x3  }
0x96: {  	_ =	strace s2  }
0x97: {  	_ =	strace $0x8FFFFFFF  }
0x98: {  	s18 =	sld [smem:$0x3FDB];
	_ =	sdelay $0x1  }
0x99: {  	s19 =	simm.s32 $_scs_section_size  }
0x9a: {  	s4 =	simm.s32 $_size__tile_overlayer_lowered;
	s5 =	simm.s32 $_tile_overlayer_lowered  }
0x9b: {  	s22 =	simm.s32 $0x1BFF;
	s21 =	sshll.u32 s5, $0x1;
	s2 =	sadd.s32 s19, s18  }
0x9c: {  	s6 =	simm.s32 $0x0;
	s20 =	sshll.u32 s4, $0x1;
	s4 =	sadd.s32 s21, s2  }
0x9d: {  	[timem:s6], [sflag:s22] =	dma.local [hbm:s4], s20  }
0x9e: {  	_ =	swait.ge [sflag:s22], s20  }
0x9f: {  	s3 =	ssub.s32 $0x0, s20;
	[sflag:s22] =	ssyncset.done $0x0  }
0xa0: {  	[sflag:s22] =	ssyncadd.s32 s3;
	_ =	sdelay $0x1  }
0xa1: {  	s23 =	simm.s32 $0x1B8B  }
0xa2: {  	_ =	swait.ge [sflag:s23], $0x1  }
0xa3: {  	[sflag:s23] =	ssyncset.done $0x0  }
0xa4: {  	s25 =	simm.s32 $0x1B8E;
	s24 =	sld [smem:$0x3FFE];
	[sflag:s23] =	ssyncadd.s32 $0xFFFFFFFF  }
0xa5: {  	s26 =	simm.s32 $execute0_lowered;
	[smem:$0x3FD2] =	sst s25  }
0xa6: {  	s4 =	sshll.u32 s26, $0x1;
	_ =	strace $0x80000049;
	[dreg:$0x1] =	wrdreg $0xFFFFFFFF  }
0xa7: {  	s28 =	simm.s32 $_size_execute0_lowered;
	s2 =	sadd.s32 s2, s4;
	[dreg:$0x0] =	wrdreg $0x0  }
0xa8: {  	s4 =	sshll.u32 s28, $0x1;
	[dreg:$0x2] =	wrdreg s2  }
0xa9: {  	[dreg:$0x3] =	wrdreg s4  }
0xaa: {  	[dreg:$0x4] =	wrdreg $0xC0  }
0xab: {  	_ =	task [dreg:s6], $0x5FFFF  }
0xac: {  	[dreg:$0x1] =	wrdreg $0xFFFFFFFF  }
0xad: {  	[dreg:$0x0] =	wrdreg $0x60  }
0xae: {  	[dreg:$0x2] =	wrdreg s24  }
0xaf: {  	[dreg:$0x3] =	wrdreg $0x9  }
0xb0: {  	_ =	task.clear_ibuf [dreg:s6], $0x4FFFF;
	_ =	strace $0x90000049  }
0xb1: {  	s29 =	simm.s32 $0x9;
	_ =	strace $0x8000004B  }
0xb2: {  	_ =	swait.ge [sflag:s29], $0x1  }
0xb3: {  	[sflag:s29] =	ssyncadd.s32 $0xFFFFFFFF  }
0xb4: {  	_ =	strace $0x9000004B  }
0xb5: {  	_ =	sfence  }
0xb6: {  	s30 =	sld [smem:$0x0];
	_ =	sdelay $0x2  }
0xb7: {  	s31 =	sshll.u32 s1, $0xD;
	s1 =	sshrl.u32 s1, $0x2  }
0xb8: {  	s3 =	sand.u32 $0x4000, s31;
	s1 =	sadd.s32 s1, s30  }
0xb9: {  	s0 =	sor.u32 s3, s0;
	s1 =	sshll.u32 s1, $0x11  }
0xba: {  	s0 =	sor.u32 s1, s0  }
0xbb: {  	s0 =	sadd.s32 $0x8F2B, s0  }
0xbc: {  	[sflag:s0] =	ssyncadd.remote.s32 $0x1  }
0xbd: {  	_ =	sfence.sel $0xFFFF  }
0xbe: {  	[dreg:$0x0] =	wrdreg $0xFFFFFFFF;
	(pc) =	sbr.abs _section_cstart, $3  }
0xbf: {  	[dreg:$0x1] =	wrdreg $0xFFFFFFFF  }
0xc0: {  	_ =	task.clear_ibuf [dreg:s6], $0x2FFFF;
	_ =	strace $0x9FFFFFFF  }
0xc1: {  	(tm) =	ssettm $0x7FFFFFFF  }
tec
execute0_lowered:
.L_overlay_start_1:
0x0: {  	(tag) =	ssettag $0x1  }
0x1: {  	s1 =	srdreg.scid  }
0x2: {  	s0 =	stileid.u32;
	s2 =	rddreg [dreg:$0x0];
	s6 =	simm.s32 $0x1  }
0x3: {  	s9 =	simm.s32 $0x1;
	s10 =	simm.s32 $0x3;
	s1 =	sshll.u32 s1, $0x6  }
0x4: {  	s13 =	simm.s32 $0x0;
	s3 =	sshll.u32 s0, $0x7;
	s4 =	sand.u32 $0x40, s1  }
0x5: {  	s12 =	simm.s32 $0x0;
	s5 =	sadd.s32 $0x60C00, s2;
	s3 =	sor.u32 s3, s4  }
0x6: {  	s1 =	rddreg [dreg:$0x1];
	_ =	strace $0x8000004A;
	s8 =	ssub.s32 $0x1000, s3  }
.Ltmp0:
0x7: {  	s4 =	sadd.s32 $0x60A00, s2;
	s7 =	sand.u32 $0x7C0, s8;
	(pc) =	sbr.rel .LBB2_1-.Ltmp0, $4  }
0x8: {  	[sflag:s6] =	ssyncpa.u1 $0x0;
	s11 =	smov.u32 s3;
	p0 =	sne.s32 s7, $0x0  }
0x9: {  	s8 =	sshrl.u32 s8, $0xB;
	s7 =	simm.s32 $0x2;
	s9 =	simm.s32 @!p0 $0x0  }
0xa: {  	[sflag:s7] =	ssyncpa.u1 $0x0;
	p0 =	por $0x0, $0x0;
	s8 =	sadd.s32 s9, s8  }
0xb: {  	vm0 =	vmmov $0xffff;
	[sflag:s10] =	ssyncpa.u1 $0x0;
	s10 =	simm.s32 $0x0;
	s9 =	sadd.s32 $0x1, s8  }
.LBB2_4:
0xc: {  	v2 =	vnsel vm1, $0x0, v2  }
0xd: {  	vm1 =	vgt.s32 v0, $0x0;
	v2 =	vmin.u32 v2, $0xFFF  }
0xe: {  	v0 =	vnsel vm1, $0x0, v0  }
0xf: {  	v0 =	vmin.u32 v0, $0xFFF  }
0x10: {  	[tilespmem:s15], [sflag:$0x1] =	stream.indirect_vreg.gather [hbm4b:s4+s10], $0x1, v1, vm0, $0x4038;
	[tilespmem:$0x100] =	vst v63  }
0x11: {  	(ifvalue) =	ssetifvalue $0x7FFFFFFF  }
0x12: {  	[tilespmem:s16], [sflag:$0x1] =	stream.indirect_vreg.gather [hbm4b:s4+s10], $0x1, v2, vm0, $0x4038;
	[tilespmem:$0x100] =	vst v63  }
0x13: {  	s29 =	sadd.s32 $0x10, s16;
	(ifvalue) =	ssetifvalue $0x7FFFFFFF  }
0x14: {  	[tilespmem:s29], [sflag:$0x1] =	stream.indirect_vreg.gather [hbm4b:s4+s10], $0x1, v0, vm0, $0x4038;
	[tilespmem:$0x100] =	vst v63  }
0x15: {  	_ =	swait.ge [sflag:s6], $0x40  }
0x16: {  	s30 =	sshrl.u32 s13, $0x3;
	[sflag:s6] =	ssyncset.done $0x0  }
0x17: {  	s31 =	sand.u32 $0x7, s13;
	s15 =	sadd.s32 s2, s30;
	[sflag:s6] =	ssyncadd.s32 $0xFFFFFFC0  }
0x18: {  	[hbm4b:s15+s31] =	stream.linear.scatter [tilespmem:s14], [sflag:$0x3], $0x40, $0x38;
	[tilespmem:$0x100] =	vst v63  }
.LBB2_5:
0x19: {  	s15 =	sadd.s32 $0x800, s11  }
0x1a: {  	p2 =	sgt.s32 s15, $0xFFF  }
0x1b: {  	s15 =	smov.u32 @p2 s3;
	p2 =	sne.s32 s12, s9  }
.Ltmp1:
0x1c: {  	p1 =	slt.u32 s12, $0x2;
	(pc) =	sbr.rel @!p2 .LBB2_6-.Ltmp1, $4  }
0x1d: {  	s14 =	simm.s32 @!p1 $0x3  }
0x1e: {  	s16 =	sadd.s32 $0x1, s12;
	_ =	swait.ge @!p1 [sflag:s14], $0x40  }
0x1f: {  	s13 =	smov.u32 s11;
	p0 =	por !p0, !p0;
	[sflag:s14] =	ssyncset.done @!p1 $0x0  }
0x20: {  	s12 =	smov.u32 s16;
	s11 =	smov.u32 s15;
	[sflag:s14] =	ssyncadd.s32 @!p1 $0xFFFFFFC0  }
.LBB2_1:
0x21: {  	p1 =	sge.u32 s12, s8  }
0x22: {  	s14 =	sxor.u32 @!p1 $0xFFFFFFFF, s12  }
0x23: {  	s31 =	sadd.s32 $0xFFFFFFFF, s12;
	s15 =	sshrl.u32 @!p1 s11, $0x3;
	s14 =	sshll.u32 @!p1 s14, $0x6  }
0x24: {  	s16 =	sand.u32 @!p1 $0x7, s11;
	s15 =	sadd.s32 @!p1 s5, s15;
	s14 =	sand.u32 @!p1 $0x40, s14  }
0x25: {  	[tilespmem:s14], [sflag:$0x2] =	stream.linear.gather @!p1 [hbm4b:s15+s16], $0x40, $0x38;
	[tilespmem:$0x100] =	vst v63  }
0x26: {  	p1 =	sge.u32 s31, s8  }
.Ltmp2:
0x27: {  	_ = 	snop;
	(pc) =	sbr.rel @p1 .LBB2_5-.Ltmp2, $1  }
0x28: {  	_ =	sdelay $0x3  }
0x29: {  	s14 =	simm.s32 $0x1  }
0x2a: {  	_ =	swait.ge [sflag:s7], $0x40;
	s14 =	simm.s32 @!p0 $0x0  }
0x2b: {  	[sflag:s7] =	ssyncset.done $0x0;
	s14 =	sshll.u32 s14, $0x6  }
0x2c: {  	[sflag:s7] =	ssyncadd.s32 $0xFFFFFFC0;
	(ifvalue) =	ssetifvalue $0x7FFFFFFF;
	v0 =	vld.msk [tilespmem:s14+$0x0 ss:$0x1], $0xffff;
	_ =	sdelay $0x4  }
0x2d: {  	s15 =	sadd.s32 $0x10, s14;
	vm1 =	vgt.s32 v0, $0x0  }
0x2e: {  	v2 =	vld.msk [tilespmem:s15+$0x0 ss:$0x1], $0xffff;
	v1 =	vnsel vm1, $0x0, v0  }
0x2f: {  	v1 =	vmin.u32 v1, $0xFFF;
	_ =	sdelay $0x1  }
0x30: {  	s16 =	sshll.u32 s12, $0x6;
	s18 =	simm.s32 $0x20  }
0x31: {  	s16 =	sand.u32 $0x40, s16;
	s17 =	sadd.s32 $0x10, s15;
	s15 =	sor.u32 $0x80, s14  }
0x32: {  	s14 =	sor.u32 $0x80, s16;
	s16 =	sadd.s32 $0x10, s15;
	v0 =	vld.msk [tilespmem:s17+$0x0 ss:$0x1], $0xffff;
	vm1 =	vgt.s32 v2, $0x0;
	(ifvalue) =	ssetifvalue $0x7FFFFFFF  }
.LBB2_3:
0x33: {  	[tilespmem:s15], [sflag:$0x1] =	stream.indirect_vreg.gather [hbm4b:s4+s10], $0x1, v1, vm0, $0x4038;
	[tilespmem:$0x100] =	vst v63  }
0x34: {  	s18 =	sadd.s32 $0x10, s18  }
0x35: {  	v2 =	vnsel vm1, $0x0, v2;
	p1 =	slt.u32 s18, $0x30  }
.Ltmp3:
0x36: {  	s15 =	smov.u32 s16;
	v1 =	vmin.u32 v2, $0xFFF;
	(pc) =	sbr.rel @p1 .LBB2_3-.Ltmp3, $3  }
0x37: {  	_ =	sdelay $0x1  }
0x38: {  	s17 =	sadd.s32 $0x10, s17  }
0x39: {  	vm1 =	vgt.s32 v0, $0x0;
	s16 =	sadd.s32 $0x10, s16;
	v2 =	vmov v0;
	(ifvalue) =	ssetifvalue $0x7FFFFFFF;
	v0 =	vld.msk [tilespmem:s17+$0x0 ss:$0x1], $0xffff  }
.Ltmp4:
0x3a: {  	_ = 	snop;
	(pc) =	sbr.rel .LBB2_4-.Ltmp4, $1  }
0x3b: {  	_ =	sdelay $0x3  }
.LBB2_6:
0x3c: {  	_ =	sfence.sel $0x180000  }
0x3d: {  	s2 =	simm.s32 $0x2;
	[bflag:$0x0] =	sbarrier.arrive $0xFFFF  }
0x3e: {  	s30 =	simm.s32 $0x3;
	[sflag:s2] =	ssyncpa.u1 $0x1  }
0x3f: {  	s31 =	simm.s32 $0x1;
	[sflag:s30] =	ssyncpa.u1 $0x1  }
0x40: {  	[sflag:s31] =	ssyncpa.u1 $0x1  }
0x41: {  	p0 =	sne.s32 s0, $0x0;
	_ =	strace $0x9000004A  }
0x42: {  	s0 =	sadd.s32 @!p0 $0x100000, s1;
	[bflag:$0x2] =	sbarrier.arrive $0xFFFF  }
0x43: {  	[sflag:s0] =	ssyncadd.tile.s32 @!p0 $0x1;
	_ =	shalt  }
.Lfunc_end2:
_tile_overlayer_lowered:
.L_overlay_start_2:
0x44: {  	(tag) =	ssettag $0x2  }
0x45: {  	s0 =	rddreg [dreg:$0x0];
	s2 =	stileid.u32  }
0x46: {  	s1 =	rddreg [dreg:$0x1];
	p0 =	sne.s32 s2, $0x0  }
0x47: {  	s3 =	rddreg [dreg:$0x2];
	[bflag:$0x3] =	sbarrier.arrive $0xFFFF;
	s2 =	simm.s32 @!p0 $0x1C01  }
0x48: {  	[timem:s3], [sflag:s2] =	dma.local @!p0 [hbm:s0], s1  }
0x49: {  	s0 =	simm.s32 @!p0 $0x1  }
0x4a: {  	_ =	swait.ge @!p0 [sflag:s0], s1  }
0x4b: {  	s1 =	ssub.s32 @!p0 $0x0, s1;
	[sflag:s0] =	ssyncset.done @!p0 $0x0  }
0x4c: {  	[sflag:s0] =	ssyncadd.s32 @!p0 s1  }
0x4d: {  	[bflag:$0x3] =	sbarrier.arrive $0xFFFF  }
0x4e: {  	_ =	shalt  }

// kernel: kernel.12.cloned.1.call-start
scs
__scs_entry_jumppad:
0x0: {  	(pc) =	sbr.rel $0x88, $3  }
0x1: {  	(tag) =	ssettag $0x0;
	lr =	simm.s32 $0x1  }
0x2: {  	[smem:$0x3F94] =	sst lr;
	_ =	strace $0xD0000000  }
0x3: {  	_ = 	snop  }
0x4: {  	_ = 	snop  }
0x5: {  	_ = 	snop  }
0x6: {  	_ = 	snop  }
0x7: {  	_ = 	snop  }
__scs_overlays_trampoline_lowered:
0x8: {  	[smem:$0x3FA3] =	sst s0  }
0x9: {  	[smem:$0x3FA4] =	sst s1  }
0xa: {  	[smem:$0x3FA5] =	sst s2  }
0xb: {  	[smem:$0x3FA6] =	sst s3  }
0xc: {  	[smem:$0x3FA7] =	sst s4  }
0xd: {  	[smem:$0x3FA8] =	sst s5  }
0xe: {  	[smem:$0x3FA9] =	sst s6  }
0xf: {  	[smem:$0x3FAA] =	sst s7  }
0x10: {  	[smem:$0x3FAB] =	sst s8  }
0x11: {  	[smem:$0x3FAC] =	sst s9;
	s0 =	simm.s32 @!p0 $0x0  }
0x12: {  	s1 =	sld [smem:$0x3F92];
	s0 =	simm.s32 @p0 $0x1  }
0x13: {  	[smem:$0x3FAD] =	sst s0;
	s0 =	simm.s32 @!p1 $0x0  }
0x14: {  	s2 =	sld [smem:$0x3F91];
	s0 =	simm.s32 @p1 $0x1  }
0x15: {  	[smem:$0x3FAE] =	sst s0;
	s0 =	simm.s32 @!p2 $0x0  }
0x16: {  	s3 =	sld [smem:$0x3FDB];
	s0 =	simm.s32 @p2 $0x1  }
0x17: {  	s4 =	simm.s32 $0x1BF5;
	[smem:$0x3FB0] =	sst s0  }
0x18: {  	s0 =	sld [smem:$0x3F93];
	_ =	swait.ge [sflag:s4], $0x0  }
0x19: {  	s7 =	sld [smem:$0x3F94]  }
0x1a: {  	s8 =	sadd.s32 $0xFFFFE003, lr  }
0x1b: {  	s9 =	sadd.s32 $0xFFFFFEF7, lr;
	s5 =	simm.s32 $0xFFFFFFFF;
	p2 =	slt.u32 s8, $0xFFFFF086  }
0x1c: {  	p1 =	slt.u32 s9, $0xF7A;
	s5 =	simm.s32 @!p2 $0x0  }
0x1d: {  	s5 =	simm.s32 @p1 $0x1;
	p0 =	seq.s32 s7, s2  }
0x1e: {  	s7 =	smul.u32 @!p0 $0xF7A, s2;
	p2 =	seq.s32 @!p0 s5, $0x0  }
0x1f: {  	s9 =	smul.u32 $0xF7A, s1;
	s8 =	simm.s32 @!p0 $0x1BF5;
	p2 =	por !p2, p0  }
0x20: {  	[sflag:s8] =	ssyncset.s32 @!p0 $0xFFFFF086;
	s6 =	sadd.s32 @!p0 s3, s7;
	s7 =	simm.s32 @!p0 $0x108  }
0x21: {  	s3 =	sadd.s32 s3, s9;
	s6 =	sadd.s32 @!p0 $0x88, s6;
	s7 =	simm.s32 @p2 $0x1082  }
0x22: {  	[simem:s7], [sflag:s8] =	dma.local @!p0 [hbm:s6], $0xF7A  }
0x23: {  	s9 =	sor.u32 $0xD0000000, s2;
	s6 =	simm.s32 $0x108;
	_ =	swait.ge @!p0 [sflag:s8], $0x0  }
0x24: {  	s3 =	sadd.s32 $0x88, s3;
	s6 =	simm.s32 @!p1 $0x1082;
	[sflag:s4] =	ssyncset.s32 $0xFFFFF086  }
0x25: {  	[simem:s6], [sflag:s4] =	dma.local [hbm:s3], $0xF7A  }
0x26: {  	[smem:$0x3F94] =	sst s1;
	(tag) =	ssettag s2;
	_ =	strace s9  }
0x27: {  	s1 =	sld [smem:$0x3FA4]  }
0x28: {  	s2 =	sld [smem:$0x3FA5]  }
0x29: {  	s4 =	sld [smem:$0x3FA7]  }
0x2a: {  	p0 =	seq.s32 s5, $0x0;
	s5 =	sld [smem:$0x3FA8]  }
0x2b: {  	s6 =	sld [smem:$0x3FA9]  }
0x2c: {  	s7 =	sld [smem:$0x3FAA]  }
0x2d: {  	s3 =	simm.s32 $0x108;
	s8 =	sld [smem:$0x3FAB]  }
0x2e: {  	s3 =	simm.s32 @!p0 $0x1082;
	s9 =	sld [smem:$0x3FAC]  }
0x2f: {  	lr =	sadd.s32 s0, s3;
	s0 =	sld [smem:$0x3FA3]  }
0x30: {  	s3 =	sld [smem:$0x3FA6]  }
0x31: {  	[smem:$0x3FAF] =	sst s10  }
0x32: {  	s10 =	sld [smem:$0x3FAD];
	_ =	sdelay $0x3  }
0x33: {  	p0 =	seq.s32 s10, $0x1;
	s10 =	sld [smem:$0x3FAF];
	_ =	sdelay $0x3  }
0x34: {  	[smem:$0x3FAF] =	sst s10  }
0x35: {  	s10 =	sld [smem:$0x3FAE];
	_ =	sdelay $0x3  }
0x36: {  	p1 =	seq.s32 s10, $0x1;
	s10 =	sld [smem:$0x3FAF];
	_ =	sdelay $0x3  }
0x37: {  	[smem:$0x3FAF] =	sst s10  }
0x38: {  	s10 =	sld [smem:$0x3FB0]  }
0x39: {  	_ = 	snop;
	(pc) =	sbr.ind lr, $3  }
0x3a: {  	_ = 	snop  }
0x3b: {  	_ = 	snop  }
0x3c: {  	p2 =	seq.s32 s10, $0x1;
	s10 =	sld [smem:$0x3FAF]  }
0x3d: {  	_ =	shalt  }
0x3e: {  	_ =	shalt  }
0x3f: {  	_ =	shalt  }
0x40: {  	_ =	shalt  }
0x41: {  	_ =	shalt  }
0x42: {  	_ =	shalt  }
0x43: {  	_ =	shalt  }
0x44: {  	_ =	shalt  }
0x45: {  	_ =	shalt  }
0x46: {  	_ =	shalt  }
0x47: {  	_ =	shalt  }
0x48: {  	_ =	shalt  }
0x49: {  	_ =	shalt  }
0x4a: {  	_ =	shalt  }
0x4b: {  	_ =	shalt  }
0x4c: {  	_ =	shalt  }
0x4d: {  	_ =	shalt  }
0x4e: {  	_ =	shalt  }
0x4f: {  	_ =	shalt  }
0x50: {  	_ =	shalt  }
0x51: {  	_ =	shalt  }
0x52: {  	_ =	shalt  }
0x53: {  	_ =	shalt  }
0x54: {  	_ =	shalt  }
0x55: {  	_ =	shalt  }
0x56: {  	_ =	shalt  }
0x57: {  	_ =	shalt  }
0x58: {  	_ =	shalt  }
0x59: {  	_ =	shalt  }
0x5a: {  	_ =	shalt  }
0x5b: {  	_ =	shalt  }
0x5c: {  	_ =	shalt  }
0x5d: {  	_ =	shalt  }
0x5e: {  	_ =	shalt  }
0x5f: {  	_ =	shalt  }
0x60: {  	_ =	shalt  }
0x61: {  	_ =	shalt  }
0x62: {  	_ =	shalt  }
0x63: {  	_ =	shalt  }
0x64: {  	_ =	shalt  }
0x65: {  	_ =	shalt  }
0x66: {  	_ =	shalt  }
0x67: {  	_ =	shalt  }
0x68: {  	_ =	shalt  }
0x69: {  	_ =	shalt  }
0x6a: {  	_ =	shalt  }
0x6b: {  	_ =	shalt  }
0x6c: {  	_ =	shalt  }
0x6d: {  	_ =	shalt  }
0x6e: {  	_ =	shalt  }
0x6f: {  	_ =	shalt  }
0x70: {  	_ =	shalt  }
0x71: {  	_ =	shalt  }
0x72: {  	_ =	shalt  }
0x73: {  	_ =	shalt  }
0x74: {  	_ =	shalt  }
0x75: {  	_ =	shalt  }
0x76: {  	_ =	shalt  }
0x77: {  	_ =	shalt  }
0x78: {  	_ =	shalt  }
0x79: {  	_ =	shalt  }
0x7a: {  	_ =	shalt  }
0x7b: {  	_ =	shalt  }
0x7c: {  	_ =	shalt  }
0x7d: {  	_ =	shalt  }
0x7e: {  	_ =	shalt  }
0x7f: {  	_ =	shalt  }
0x80: {  	_ =	shalt  }
0x81: {  	_ =	shalt  }
0x82: {  	_ =	shalt  }
0x83: {  	_ =	shalt  }
0x84: {  	_ =	shalt  }
0x85: {  	_ =	shalt  }
0x86: {  	_ =	shalt  }
0x87: {  	_ =	shalt  }
.Lfunc_end0:
.L_simem_size_0:
called_computation.3_lowered:
.L_overlay_start_0:
0x88: {  	s2 =	sld [smem:$0x3FD9]  }
0x89: {  	s3 =	sld [smem:$0x3FFE];
	_ =	sdelay $0x1  }
0x8a: {  	s1 =	srdreg.scid  }
0x8b: {  	s0 =	sand.u32 $0x1, s1  }
0x8c: {  	s16 =	sshll.u32 s0, $0xA;
	s2 =	sadd.s32 s3, s2  }
0x8d: {  	s2 =	sadd.s32 s2, s16  }
0x8e: {  	[smem:$0x3FBB] =	sst s2  }
0x8f: {  	_ = 	snop  }
0x90: {  	(tm) =	ssettm $0x1  }
0x91: {  	s17 =	sld [smem:$0x3FFB];
	_ =	sdelay $0x3  }
0x92: {  	_ =	strace s17  }
0x93: {  	s2 =	sld [smem:$0x3FFC];
	_ =	sdelay $0x3  }
0x94: {  	_ =	strace s2  }
0x95: {  	s2 =	sld [smem:$0x3FFD];
	_ =	sdelay $0x3  }
0x96: {  	_ =	strace s2  }
0x97: {  	_ =	strace $0x8FFFFFFF  }
0x98: {  	s18 =	sld [smem:$0x3FDB];
	_ =	sdelay $0x1  }
0x99: {  	s19 =	simm.s32 $_scs_section_size  }
0x9a: {  	s4 =	simm.s32 $_size__tile_overlayer_lowered;
	s5 =	simm.s32 $_tile_overlayer_lowered  }
0x9b: {  	s22 =	simm.s32 $0x1BFF;
	s21 =	sshll.u32 s5, $0x1;
	s2 =	sadd.s32 s19, s18  }
0x9c: {  	s6 =	simm.s32 $0x0;
	s20 =	sshll.u32 s4, $0x1;
	s4 =	sadd.s32 s21, s2  }
0x9d: {  	[timem:s6], [sflag:s22] =	dma.local [hbm:s4], s20  }
0x9e: {  	_ =	swait.ge [sflag:s22], s20  }
0x9f: {  	s3 =	ssub.s32 $0x0, s20;
	[sflag:s22] =	ssyncset.done $0x0  }
0xa0: {  	[sflag:s22] =	ssyncadd.s32 s3;
	_ =	sdelay $0x1  }
0xa1: {  	s23 =	simm.s32 $0x1B8B  }
0xa2: {  	_ =	swait.ge [sflag:s23], $0x1  }
0xa3: {  	[sflag:s23] =	ssyncset.done $0x0  }
0xa4: {  	s25 =	simm.s32 $0x1B8E;
	s24 =	sld [smem:$0x3FFE];
	[sflag:s23] =	ssyncadd.s32 $0xFFFFFFFF  }
0xa5: {  	s26 =	simm.s32 $execute0_lowered;
	[smem:$0x3FD2] =	sst s25  }
0xa6: {  	s4 =	sshll.u32 s26, $0x1;
	_ =	strace $0x8000004F;
	[dreg:$0x1] =	wrdreg $0xFFFFFFFF  }
0xa7: {  	s28 =	simm.s32 $_size_execute0_lowered;
	s2 =	sadd.s32 s2, s4;
	[dreg:$0x0] =	wrdreg $0x0  }
0xa8: {  	s4 =	sshll.u32 s28, $0x1;
	[dreg:$0x2] =	wrdreg s2  }
0xa9: {  	[dreg:$0x3] =	wrdreg s4  }
0xaa: {  	[dreg:$0x4] =	wrdreg $0xC0  }
0xab: {  	_ =	task [dreg:s6], $0x5FFFF  }
0xac: {  	[dreg:$0x1] =	wrdreg $0xFFFFFFFF  }
0xad: {  	[dreg:$0x0] =	wrdreg $0x60  }
0xae: {  	[dreg:$0x2] =	wrdreg s24  }
0xaf: {  	[dreg:$0x3] =	wrdreg $0x9  }
0xb0: {  	_ =	task.clear_ibuf [dreg:s6], $0x4FFFF;
	_ =	strace $0x9000004F  }
0xb1: {  	s29 =	simm.s32 $0x9;
	_ =	strace $0x80000051  }
0xb2: {  	_ =	swait.ge [sflag:s29], $0x1  }
0xb3: {  	[sflag:s29] =	ssyncadd.s32 $0xFFFFFFFF  }
0xb4: {  	_ =	strace $0x90000051  }
0xb5: {  	_ =	sfence  }
0xb6: {  	s30 =	sld [smem:$0x0];
	_ =	sdelay $0x2  }
0xb7: {  	s31 =	sshll.u32 s1, $0xD;
	s1 =	sshrl.u32 s1, $0x2  }
0xb8: {  	s3 =	sand.u32 $0x4000, s31;
	s1 =	sadd.s32 s1, s30  }
0xb9: {  	s0 =	sor.u32 s3, s0;
	s1 =	sshll.u32 s1, $0x11  }
0xba: {  	s0 =	sor.u32 s1, s0  }
0xbb: {  	s0 =	sadd.s32 $0x8F2B, s0  }
0xbc: {  	[sflag:s0] =	ssyncadd.remote.s32 $0x1  }
0xbd: {  	_ =	sfence.sel $0xFFFF  }
0xbe: {  	[dreg:$0x0] =	wrdreg $0xFFFFFFFF;
	(pc) =	sbr.abs _section_cstart, $3  }
0xbf: {  	[dreg:$0x1] =	wrdreg $0xFFFFFFFF  }
0xc0: {  	_ =	task.clear_ibuf [dreg:s6], $0x2FFFF;
	_ =	strace $0x9FFFFFFF  }
0xc1: {  	(tm) =	ssettm $0x7FFFFFFF  }
tec
execute0_lowered:
.L_overlay_start_1:
0x0: {  	(tag) =	ssettag $0x1  }
0x1: {  	s1 =	srdreg.scid  }
0x2: {  	s0 =	stileid.u32;
	s5 =	sand.u32 $0x1, s1  }
0x3: {  	s2 =	sshll.u32 s0, $0x5;
	s3 =	sshll.u32 s5, $0x4  }
0x4: {  	s1 =	rddreg [dreg:$0x0];
	s3 =	sor.u32 s3, s2;
	s2 =	simm.s32 $0x0  }
0x5: {  	[smem:$0x7FF] =	sst s2;
	s8 =	sadd.s32 s1, s3  }
0x6: {  	s19 =	simm.s32 $0x880;
	_ =	strace $0x80000050;
	[dreg:$0x2] =	wrdreg s8  }
0x7: {  	s20 =	simm.s32 $0x1080;
	[dreg:$0x6] =	wrdreg s19  }
0x8: {  	s21 =	simm.s32 $0x1880;
	[dreg:$0x7] =	wrdreg s20  }
0x9: {  	s22 =	simm.s32 $0x2080;
	[dreg:$0x8] =	wrdreg s21  }
0xa: {  	s23 =	simm.s32 $0x2880;
	[dreg:$0x9] =	wrdreg s22  }
0xb: {  	s24 =	simm.s32 $0x3080;
	[dreg:$0xa] =	wrdreg s23  }
0xc: {  	s25 =	simm.s32 $0x3880;
	[dreg:$0xb] =	wrdreg s24  }
0xd: {  	s26 =	simm.s32 $0x4080;
	s9 =	simm.s32 $0x7080;
	[dreg:$0xc] =	wrdreg s25  }
0xe: {  	s10 =	simm.s32 $0x7880;
	s0 =	simm.s32 $0x4880;
	[dreg:$0xd] =	wrdreg s26  }
0xf: {  	s11 =	simm.s32 $0x8080;
	s12 =	simm.s32 $0x8880;
	[dreg:$0xe] =	wrdreg s0  }
0x10: {  	s13 =	simm.s32 $0x9080;
	s14 =	simm.s32 $0x9880;
	[dreg:$0x12] =	wrdreg s9  }
0x11: {  	s15 =	simm.s32 $0xA080;
	s28 =	simm.s32 $0x17880;
	[dreg:$0x13] =	wrdreg s10  }
0x12: {  	s29 =	simm.s32 $0x1;
	s30 =	simm.s32 $0x2;
	[dreg:$0x14] =	wrdreg s11  }
0x13: {  	s31 =	simm.s32 $0x3;
	s7 =	sadd.s32 $0x200, s1;
	[dreg:$0x15] =	wrdreg s12  }
0x14: {  	s5 =	ssub.s32 $0x2, s5;
	s4 =	smul.u32 $0x300, s3;
	[dreg:$0x16] =	wrdreg s13  }
0x15: {  	s6 =	smul.u32 $0x1800, s3;
	s8 =	simm.s32 $0x6880;
	[dreg:$0x17] =	wrdreg s14  }
0x16: {  	[dreg:$0x18] =	wrdreg s15;
	s19 =	simm.s32 $0xB880;
	s20 =	simm.s32 $0xC880  }
0x17: {  	s21 =	simm.s32 $0xD080;
	s22 =	simm.s32 $0xD880;
	[dreg:$0x11] =	wrdreg s8  }
0x18: {  	s23 =	simm.s32 $0xE080;
	s9 =	simm.s32 $0x80;
	[dreg:$0x1b] =	wrdreg s19  }
0x19: {  	s24 =	simm.s32 $0xE880;
	s10 =	simm.s32 $0x6080;
	[dreg:$0x1c] =	wrdreg s20  }
0x1a: {  	s25 =	simm.s32 $0xF080;
	s11 =	simm.s32 $0xC080;
	[dreg:$0x1d] =	wrdreg s21  }
0x1b: {  	s26 =	simm.s32 $0xF880;
	s13 =	simm.s32 $0x10880;
	[dreg:$0x1e] =	wrdreg s22  }
0x1c: {  	s14 =	simm.s32 $0x11080;
	s15 =	simm.s32 $0x11880;
	[dreg:$0x1f] =	wrdreg s23  }
0x1d: {  	s3 =	sadd.s32 s7, s4;
	s16 =	sshrl.u32 s6, $0x3;
	[smem:$0x7FB] =	sst s24  }
0x1e: {  	s6 =	simm.s32 $0x5080;
	s8 =	simm.s32 $0x5;
	[smem:$0x7FC] =	sst s25  }
0x1f: {  	[smem:$0x7FD] =	sst s26;
	s19 =	simm.s32 $0x13880;
	s20 =	simm.s32 $0x14080  }
0x20: {  	s21 =	simm.s32 $0x14880;
	s22 =	simm.s32 $0x15080;
	s23 =	simm.s32 $0x15880  }
0x21: {  	s24 =	simm.s32 $0x16080;
	s17 =	sadd.s32 $0xC00, s3;
	[dreg:$0xf] =	wrdreg s6  }
0x22: {  	s4 =	sadd.s32 s7, s16;
	s7 =	simm.s32 $0x5880;
	[dreg:$0x3] =	wrdreg s17  }
0x23: {  	s25 =	simm.s32 $0x16880;
	s16 =	simm.s32 $0xA880;
	[dreg:$0x10] =	wrdreg s7  }
0x24: {  	s26 =	simm.s32 $0x17080;
	s18 =	sadd.s32 $0x1800, s4;
	[dreg:$0x19] =	wrdreg s16  }
0x25: {  	s6 =	sadd.s32 $0x137E00, s1;
	s4 =	sadd.s32 $0x2400, s4;
	[dreg:$0x4] =	wrdreg s18  }
0x26: {  	s17 =	sshrl.u32 s5, $0x1;
	s16 =	simm.s32 $0x12080;
	[dreg:$0x5] =	wrdreg s4  }
0x27: {  	v2 =	vlaneseq.u32;
	s4 =	sadd.s32 $0x137C00, s1;
	s18 =	simm.s32 $0xB080;
	s7 =	ssub.s32 s5, s17  }
0x28: {  	vm0 =	vmmov $0xffff;
	v1 =	vshrl.u32 v2, $0x3;
	s5 =	sadd.s32 $0x137D00, s1;
	s17 =	simm.s32 $0x12880;
	s1 =	simm.s32 $0x4  }
0x29: {  	v0 =	vand.u32 $0x7, v2;
	v2 =	vor.u32 $0x8, v2;
	v1 =	vmul.u32 $0x8, v1;
	[dreg:$0x1a] =	wrdreg s18;
	s7 =	smax.u32 s7, $0x1;
	s18 =	simm.s32 $0x13080  }
.LBB2_1:
0x2a: {  	s0 =	rddreg [dreg:$0x2]  }
0x2b: {  	[tilespmem:s2], [sflag:$0x5] =	stream.linear.gather [hbm4b:s0+s2], $0x80, $0x38;
	[tilespmem:$0x18080] =	vst v63  }
0x2c: {  	_ =	swait.ge [sflag:s8], $0x80  }
0x2d: {  	[sflag:s8] =	ssyncset.done $0x0  }
0x2e: {  	[sflag:s8] =	ssyncadd.s32 $0xFFFFFF80  }
0x2f: {  	v3 =	vld [tilespmem:$0x0];
	_ =	sdelay $0x4  }
0x30: {  	v4 =	vshrl.u32 v3, $0x3  }
0x31: {  	v4 =	vmul.u32 $0x30, v4  }
0x32: {  	v3 =	vand.u32 $0x7, v3  }
0x33: {  	v3 =	vor.u32 v3, v4  }
0x34: {  	v4 =	vperm.xlane v3, v0;
	_ =	sdelay $0x1  }
0x35: {  	v4 =	vadd.s32 v1, v4;
	_ =	sdelay $0x3  }
0x36: {  	v3 =	vperm.xlane v3, v2  }
0x37: {  	[tilespmem:s9], [sflag:$0x1] =	stream.indirect_vreg.gather [hbm4b:s4+s2], $0x80, v4, vm0, $0xb8;
	[tilespmem:$0x18080] =	vst v63  }
0x38: {  	s0 =	rddreg [dreg:$0x6];
	v3 =	vadd.s32 v1, v3  }
0x39: {  	[tilespmem:s0], [sflag:$0x1] =	stream.indirect_vreg.gather [hbm4b:s5+s2], $0x80, v4, vm0, $0xb8;
	[tilespmem:$0x18080] =	vst v63  }
0x3a: {  	s12 =	rddreg [dreg:$0x7]  }
0x3b: {  	[tilespmem:s12], [sflag:$0x1] =	stream.indirect_vreg.gather [hbm4b:s6+s2], $0x80, v4, vm0, $0xb8;
	[tilespmem:$0x18080] =	vst v63  }
0x3c: {  	s0 =	rddreg [dreg:$0x8]  }
0x3d: {  	[tilespmem:s0], [sflag:$0x1] =	stream.indirect_vreg.gather [hbm4b:s4+s2], $0x80, v3, vm0, $0xb8;
	[tilespmem:$0x18080] =	vst v63  }
0x3e: {  	s12 =	rddreg [dreg:$0x9]  }
0x3f: {  	[tilespmem:s12], [sflag:$0x1] =	stream.indirect_vreg.gather [hbm4b:s5+s2], $0x80, v3, vm0, $0xb8;
	[tilespmem:$0x18080] =	vst v63  }
0x40: {  	s0 =	rddreg [dreg:$0xa]  }
0x41: {  	[tilespmem:s0], [sflag:$0x1] =	stream.indirect_vreg.gather [hbm4b:s6+s2], $0x80, v3, vm0, $0xb8;
	[tilespmem:$0x18080] =	vst v63  }
0x42: {  	v3 =	vld [tilespmem:$0x10];
	_ =	sdelay $0x4  }
0x43: {  	v57 =	vshrl.u32 v3, $0x3  }
0x44: {  	v4 =	vmul.u32 $0x30, v57  }
0x45: {  	v3 =	vand.u32 $0x7, v3  }
0x46: {  	v3 =	vor.u32 v3, v4  }
0x47: {  	v4 =	vperm.xlane v3, v0;
	_ =	sdelay $0x1  }
0x48: {  	v4 =	vadd.s32 v1, v4;
	_ =	sdelay $0x3  }
0x49: {  	s0 =	rddreg [dreg:$0xb];
	v3 =	vperm.xlane v3, v2  }
0x4a: {  	[tilespmem:s0], [sflag:$0x1] =	stream.indirect_vreg.gather [hbm4b:s4+s2], $0x80, v4, vm0, $0xb8;
	[tilespmem:$0x18080] =	vst v63  }
0x4b: {  	s12 =	rddreg [dreg:$0xc];
	v3 =	vadd.s32 v1, v3  }
0x4c: {  	[tilespmem:s12], [sflag:$0x1] =	stream.indirect_vreg.gather [hbm4b:s5+s2], $0x80, v4, vm0, $0xb8;
	[tilespmem:$0x18080] =	vst v63  }
0x4d: {  	s0 =	rddreg [dreg:$0xd]  }
0x4e: {  	[tilespmem:s0], [sflag:$0x1] =	stream.indirect_vreg.gather [hbm4b:s6+s2], $0x80, v4, vm0, $0xb8;
	[tilespmem:$0x18080] =	vst v63  }
0x4f: {  	s12 =	rddreg [dreg:$0xe]  }
0x50: {  	[tilespmem:s12], [sflag:$0x1] =	stream.indirect_vreg.gather [hbm4b:s4+s2], $0x80, v3, vm0, $0xb8;
	[tilespmem:$0x18080] =	vst v63  }
0x51: {  	s0 =	rddreg [dreg:$0xf]  }
0x52: {  	[tilespmem:s0], [sflag:$0x1] =	stream.indirect_vreg.gather [hbm4b:s5+s2], $0x80, v3, vm0, $0xb8;
	[tilespmem:$0x18080] =	vst v63  }
0x53: {  	s12 =	rddreg [dreg:$0x10]  }
0x54: {  	[tilespmem:s12], [sflag:$0x1] =	stream.indirect_vreg.gather [hbm4b:s6+s2], $0x80, v3, vm0, $0xb8;
	[tilespmem:$0x18080] =	vst v63  }
0x55: {  	v3 =	vld [tilespmem:$0x20];
	_ =	sdelay $0x4  }
0x56: {  	v58 =	vshrl.u32 v3, $0x3  }
0x57: {  	v4 =	vmul.u32 $0x30, v58  }
0x58: {  	v3 =	vand.u32 $0x7, v3  }
0x59: {  	v3 =	vor.u32 v3, v4  }
0x5a: {  	v4 =	vperm.xlane v3, v0;
	_ =	sdelay $0x1  }
0x5b: {  	v4 =	vadd.s32 v1, v4;
	_ =	sdelay $0x3  }
0x5c: {  	v3 =	vperm.xlane v3, v2  }
0x5d: {  	[tilespmem:s10], [sflag:$0x2] =	stream.indirect_vreg.gather [hbm4b:s4+s2], $0x80, v4, vm0, $0xb8;
	[tilespmem:$0x18080] =	vst v63  }
0x5e: {  	s0 =	rddreg [dreg:$0x11];
	v3 =	vadd.s32 v1, v3  }
0x5f: {  	[tilespmem:s0], [sflag:$0x2] =	stream.indirect_vreg.gather [hbm4b:s5+s2], $0x80, v4, vm0, $0xb8;
	[tilespmem:$0x18080] =	vst v63  }
0x60: {  	s12 =	rddreg [dreg:$0x12]  }
0x61: {  	[tilespmem:s12], [sflag:$0x2] =	stream.indirect_vreg.gather [hbm4b:s6+s2], $0x80, v4, vm0, $0xb8;
	[tilespmem:$0x18080] =	vst v63  }
0x62: {  	s0 =	rddreg [dreg:$0x13]  }
0x63: {  	[tilespmem:s0], [sflag:$0x2] =	stream.indirect_vreg.gather [hbm4b:s4+s2], $0x80, v3, vm0, $0xb8;
	[tilespmem:$0x18080] =	vst v63  }
0x64: {  	s12 =	rddreg [dreg:$0x14]  }
0x65: {  	[tilespmem:s12], [sflag:$0x2] =	stream.indirect_vreg.gather [hbm4b:s5+s2], $0x80, v3, vm0, $0xb8;
	[tilespmem:$0x18080] =	vst v63  }
0x66: {  	s0 =	rddreg [dreg:$0x15]  }
0x67: {  	[tilespmem:s0], [sflag:$0x2] =	stream.indirect_vreg.gather [hbm4b:s6+s2], $0x80, v3, vm0, $0xb8;
	[tilespmem:$0x18080] =	vst v63  }
0x68: {  	v3 =	vld [tilespmem:$0x30];
	_ =	sdelay $0x4  }
0x69: {  	v59 =	vshrl.u32 v3, $0x3  }
0x6a: {  	v4 =	vmul.u32 $0x30, v59  }
0x6b: {  	v3 =	vand.u32 $0x7, v3  }
0x6c: {  	v3 =	vor.u32 v3, v4  }
0x6d: {  	v4 =	vperm.xlane v3, v0;
	_ =	sdelay $0x1  }
0x6e: {  	v4 =	vadd.s32 v1, v4;
	_ =	sdelay $0x3  }
0x6f: {  	s0 =	rddreg [dreg:$0x16];
	v3 =	vperm.xlane v3, v2  }
0x70: {  	[tilespmem:s0], [sflag:$0x2] =	stream.indirect_vreg.gather [hbm4b:s4+s2], $0x80, v4, vm0, $0xb8;
	[tilespmem:$0x18080] =	vst v63  }
0x71: {  	s12 =	rddreg [dreg:$0x17];
	v3 =	vadd.s32 v1, v3  }
0x72: {  	[tilespmem:s12], [sflag:$0x2] =	stream.indirect_vreg.gather [hbm4b:s5+s2], $0x80, v4, vm0, $0xb8;
	[tilespmem:$0x18080] =	vst v63  }
0x73: {  	s0 =	rddreg [dreg:$0x18]  }
0x74: {  	[tilespmem:s0], [sflag:$0x2] =	stream.indirect_vreg.gather [hbm4b:s6+s2], $0x80, v4, vm0, $0xb8;
	[tilespmem:$0x18080] =	vst v63  }
0x75: {  	s12 =	rddreg [dreg:$0x19]  }
0x76: {  	[tilespmem:s12], [sflag:$0x2] =	stream.indirect_vreg.gather [hbm4b:s4+s2], $0x80, v3, vm0, $0xb8;
	[tilespmem:$0x18080] =	vst v63  }
0x77: {  	s0 =	rddreg [dreg:$0x1a]  }
0x78: {  	[tilespmem:s0], [sflag:$0x2] =	stream.indirect_vreg.gather [hbm4b:s5+s2], $0x80, v3, vm0, $0xb8;
	[tilespmem:$0x18080] =	vst v63  }
0x79: {  	s12 =	rddreg [dreg:$0x1b]  }
0x7a: {  	[tilespmem:s12], [sflag:$0x2] =	stream.indirect_vreg.gather [hbm4b:s6+s2], $0x80, v3, vm0, $0xb8;
	[tilespmem:$0x18080] =	vst v63  }
0x7b: {  	v3 =	vld [tilespmem:$0x40];
	_ =	sdelay $0x4  }
0x7c: {  	v60 =	vshrl.u32 v3, $0x3  }
0x7d: {  	v4 =	vmul.u32 $0x30, v60  }
0x7e: {  	v3 =	vand.u32 $0x7, v3  }
0x7f: {  	v3 =	vor.u32 v3, v4  }
0x80: {  	v4 =	vperm.xlane v3, v0;
	_ =	sdelay $0x1  }
0x81: {  	v4 =	vadd.s32 v1, v4;
	_ =	sdelay $0x3  }
0x82: {  	s0 =	rddreg [dreg:$0x1c];
	v3 =	vperm.xlane v3, v2  }
0x83: {  	[tilespmem:s11], [sflag:$0x3] =	stream.indirect_vreg.gather [hbm4b:s4+s2], $0x80, v4, vm0, $0xb8;
	[tilespmem:$0x18080] =	vst v63  }
0x84: {  	s12 =	rddreg [dreg:$0x1d];
	v3 =	vadd.s32 v1, v3  }
0x85: {  	[tilespmem:s0], [sflag:$0x3] =	stream.indirect_vreg.gather [hbm4b:s5+s2], $0x80, v4, vm0, $0xb8;
	[tilespmem:$0x18080] =	vst v63  }
0x86: {  	s0 =	rddreg [dreg:$0x1e]  }
0x87: {  	[tilespmem:s12], [sflag:$0x3] =	stream.indirect_vreg.gather [hbm4b:s6+s2], $0x80, v4, vm0, $0xb8;
	[tilespmem:$0x18080] =	vst v63  }
0x88: {  	s12 =	rddreg [dreg:$0x1f]  }
0x89: {  	[tilespmem:s0], [sflag:$0x3] =	stream.indirect_vreg.gather [hbm4b:s4+s2], $0x80, v3, vm0, $0xb8;
	[tilespmem:$0x18080] =	vst v63  }
0x8a: {  	s0 =	sld [smem:$0x7FB]  }
0x8b: {  	[tilespmem:s12], [sflag:$0x3] =	stream.indirect_vreg.gather [hbm4b:s5+s2], $0x80, v3, vm0, $0xb8;
	[tilespmem:$0x18080] =	vst v63  }
0x8c: {  	_ = 	snop  }
0x8d: {  	[tilespmem:s0], [sflag:$0x3] =	stream.indirect_vreg.gather [hbm4b:s6+s2], $0x80, v3, vm0, $0xb8;
	[tilespmem:$0x18080] =	vst v63  }
0x8e: {  	v3 =	vld [tilespmem:$0x50];
	_ =	sdelay $0x4  }
0x8f: {  	v61 =	vshrl.u32 v3, $0x3  }
0x90: {  	v4 =	vmul.u32 $0x30, v61  }
0x91: {  	v3 =	vand.u32 $0x7, v3  }
0x92: {  	v3 =	vor.u32 v3, v4  }
0x93: {  	v4 =	vperm.xlane v3, v0;
	_ =	sdelay $0x1  }
0x94: {  	v4 =	vadd.s32 v1, v4;
	_ =	sdelay $0x1  }
0x95: {  	s0 =	sld [smem:$0x7FC];
	_ =	sdelay $0x1  }
0x96: {  	s12 =	sld [smem:$0x7FD];
	v3 =	vperm.xlane v3, v2  }
0x97: {  	[tilespmem:s0], [sflag:$0x3] =	stream.indirect_vreg.gather [hbm4b:s4+s2], $0x80, v4, vm0, $0xb8;
	[tilespmem:$0x18080] =	vst v63  }
0x98: {  	v3 =	vadd.s32 v1, v3  }
0x99: {  	[tilespmem:s12], [sflag:$0x3] =	stream.indirect_vreg.gather [hbm4b:s5+s2], $0x80, v4, vm0, $0xb8;
	[tilespmem:$0x18080] =	vst v63  }
0x9a: {  	s12 =	simm.s32 $0x10080  }
0x9b: {  	[tilespmem:s12], [sflag:$0x3] =	stream.indirect_vreg.gather [hbm4b:s6+s2], $0x80, v4, vm0, $0xb8;
	[tilespmem:$0x18080] =	vst v63  }
0x9c: {  	_ = 	snop  }
0x9d: {  	[tilespmem:s13], [sflag:$0x3] =	stream.indirect_vreg.gather [hbm4b:s4+s2], $0x80, v3, vm0, $0xb8;
	[tilespmem:$0x18080] =	vst v63  }
0x9e: {  	_ = 	snop  }
0x9f: {  	[tilespmem:s14], [sflag:$0x3] =	stream.indirect_vreg.gather [hbm4b:s5+s2], $0x80, v3, vm0, $0xb8;
	[tilespmem:$0x18080] =	vst v63  }
0xa0: {  	_ = 	snop  }
0xa1: {  	[tilespmem:s15], [sflag:$0x3] =	stream.indirect_vreg.gather [hbm4b:s6+s2], $0x80, v3, vm0, $0xb8;
	[tilespmem:$0x18080] =	vst v63  }
0xa2: {  	v3 =	vld [tilespmem:$0x60];
	_ =	sdelay $0x4  }
0xa3: {  	v62 =	vshrl.u32 v3, $0x3  }
0xa4: {  	v4 =	vmul.u32 $0x30, v62  }
0xa5: {  	v3 =	vand.u32 $0x7, v3  }
0xa6: {  	v3 =	vor.u32 v3, v4  }
0xa7: {  	v4 =	vperm.xlane v3, v0;
	_ =	sdelay $0x1  }
0xa8: {  	v4 =	vadd.s32 v1, v4;
	_ =	sdelay $0x3  }
0xa9: {  	v3 =	vperm.xlane v3, v2  }
0xaa: {  	[tilespmem:s16], [sflag:$0x4] =	stream.indirect_vreg.gather [hbm4b:s4+s2], $0x80, v4, vm0, $0xb8;
	[tilespmem:$0x18080] =	vst v63  }
0xab: {  	v3 =	vadd.s32 v1, v3  }
0xac: {  	[tilespmem:s17], [sflag:$0x4] =	stream.indirect_vreg.gather [hbm4b:s5+s2], $0x80, v4, vm0, $0xb8;
	[tilespmem:$0x18080] =	vst v63  }
0xad: {  	_ = 	snop  }
0xae: {  	[tilespmem:s18], [sflag:$0x4] =	stream.indirect_vreg.gather [hbm4b:s6+s2], $0x80, v4, vm0, $0xb8;
	[tilespmem:$0x18080] =	vst v63  }
0xaf: {  	_ = 	snop  }
0xb0: {  	[tilespmem:s19], [sflag:$0x4] =	stream.indirect_vreg.gather [hbm4b:s4+s2], $0x80, v3, vm0, $0xb8;
	[tilespmem:$0x18080] =	vst v63  }
0xb1: {  	_ = 	snop  }
0xb2: {  	[tilespmem:s20], [sflag:$0x4] =	stream.indirect_vreg.gather [hbm4b:s5+s2], $0x80, v3, vm0, $0xb8;
	[tilespmem:$0x18080] =	vst v63  }
0xb3: {  	_ = 	snop  }
0xb4: {  	[tilespmem:s21], [sflag:$0x4] =	stream.indirect_vreg.gather [hbm4b:s6+s2], $0x80, v3, vm0, $0xb8;
	[tilespmem:$0x18080] =	vst v63  }
0xb5: {  	v3 =	vld [tilespmem:$0x70];
	_ =	sdelay $0x4  }
0xb6: {  	v63 =	vshrl.u32 v3, $0x3  }
0xb7: {  	v4 =	vmul.u32 $0x30, v63  }
0xb8: {  	v3 =	vand.u32 $0x7, v3  }
0xb9: {  	v3 =	vor.u32 v3, v4  }
0xba: {  	v4 =	vperm.xlane v3, v0;
	_ =	sdelay $0x1  }
0xbb: {  	v4 =	vadd.s32 v1, v4;
	_ =	sdelay $0x3  }
0xbc: {  	v3 =	vperm.xlane v3, v2  }
0xbd: {  	[tilespmem:s22], [sflag:$0x4] =	stream.indirect_vreg.gather [hbm4b:s4+s2], $0x80, v4, vm0, $0xb8;
	[tilespmem:$0x18080] =	vst v63  }
0xbe: {  	v3 =	vadd.s32 v1, v3  }
0xbf: {  	[tilespmem:s23], [sflag:$0x4] =	stream.indirect_vreg.gather [hbm4b:s5+s2], $0x80, v4, vm0, $0xb8;
	[tilespmem:$0x18080] =	vst v63  }
0xc0: {  	_ = 	snop  }
0xc1: {  	[tilespmem:s24], [sflag:$0x4] =	stream.indirect_vreg.gather [hbm4b:s6+s2], $0x80, v4, vm0, $0xb8;
	[tilespmem:$0x18080] =	vst v63  }
0xc2: {  	_ = 	snop  }
0xc3: {  	[tilespmem:s25], [sflag:$0x4] =	stream.indirect_vreg.gather [hbm4b:s4+s2], $0x80, v3, vm0, $0xb8;
	[tilespmem:$0x18080] =	vst v63  }
0xc4: {  	_ = 	snop  }
0xc5: {  	[tilespmem:s26], [sflag:$0x4] =	stream.indirect_vreg.gather [hbm4b:s5+s2], $0x80, v3, vm0, $0xb8;
	[tilespmem:$0x18080] =	vst v63  }
0xc6: {  	_ = 	snop  }
0xc7: {  	[tilespmem:s28], [sflag:$0x4] =	stream.indirect_vreg.gather [hbm4b:s6+s2], $0x80, v3, vm0, $0xb8;
	[tilespmem:$0x18080] =	vst v63  }
0xc8: {  	_ =	swait.ge [sflag:s29], $0x6000  }
0xc9: {  	[sflag:s29] =	ssyncset.done $0x0  }
0xca: {  	[sflag:s29] =	ssyncadd.s32 $0xFFFFA000  }
0xcb: {  	[hbm4b:s3+s2] =	stream.linear.scatter [tilespmem:s9], [sflag:$0x5], $0x6000, $0x38;
	[tilespmem:$0x18080] =	vst v63  }
0xcc: {  	_ =	swait.ge [sflag:s8], $0x6000  }
0xcd: {  	[sflag:s8] =	ssyncset.done $0x0  }
0xce: {  	[sflag:s8] =	ssyncadd.s32 $0xFFFFA000  }
0xcf: {  	_ =	swait.ge [sflag:s30], $0x6000  }
0xd0: {  	[sflag:s30] =	ssyncset.done $0x0  }
0xd1: {  	s12 =	rddreg [dreg:$0x3];
	[sflag:s30] =	ssyncadd.s32 $0xFFFFA000  }
0xd2: {  	[hbm4b:s12+s2] =	stream.linear.scatter [tilespmem:s10], [sflag:$0x5], $0x6000, $0x38;
	[tilespmem:$0x18080] =	vst v63  }
0xd3: {  	_ =	swait.ge [sflag:s8], $0x6000  }
0xd4: {  	[sflag:s8] =	ssyncset.done $0x0  }
0xd5: {  	[sflag:s8] =	ssyncadd.s32 $0xFFFFA000  }
0xd6: {  	_ =	swait.ge [sflag:s31], $0x6000  }
0xd7: {  	[sflag:s31] =	ssyncset.done $0x0  }
0xd8: {  	s12 =	rddreg [dreg:$0x4];
	[sflag:s31] =	ssyncadd.s32 $0xFFFFA000  }
0xd9: {  	[hbm4b:s12+s2] =	stream.linear.scatter [tilespmem:s11], [sflag:$0x5], $0x6000, $0x38;
	[tilespmem:$0x18080] =	vst v63  }
0xda: {  	_ =	swait.ge [sflag:s8], $0x6000  }
0xdb: {  	[sflag:s8] =	ssyncset.done $0x0  }
0xdc: {  	[sflag:s8] =	ssyncadd.s32 $0xFFFFA000  }
0xdd: {  	_ =	swait.ge [sflag:s1], $0x6000  }
0xde: {  	p0 =	sne.s32 s7, $0x1;
	[sflag:s1] =	ssyncset.done $0x0  }
.Ltmp0:
0xdf: {  	s12 =	rddreg [dreg:$0x5];
	[sflag:s1] =	ssyncadd.s32 $0xFFFFA000;
	(pc) =	sbr.rel @p0 .LBB2_1-.Ltmp0, $4  }
0xe0: {  	[hbm4b:s12+s2] =	stream.linear.scatter [tilespmem:s16], [sflag:$0x5], $0x6000, $0x38;
	[tilespmem:$0x18080] =	vst v63  }
0xe1: {  	_ =	swait.ge [sflag:s8], $0x6000  }
0xe2: {  	[sflag:s8] =	ssyncset.done $0x0  }
0xe3: {  	s7 =	sadd.s32 $0xFFFFFFFF, s7;
	[sflag:s8] =	ssyncadd.s32 $0xFFFFA000  }
0xe4: {  	_ =	sfence.sel $0x180000  }
0xe5: {  	[bflag:$0x0] =	sbarrier.arrive $0xFFFF  }
0xe6: {  	_ =	strace $0x90000050  }
0xe7: {  	s0 =	stileid.u32;
	[bflag:$0x2] =	sbarrier.arrive $0xFFFF  }
0xe8: {  	p0 =	sne.s32 s0, $0x0;
	s0 =	rddreg [dreg:$0x1]  }
0xe9: {  	s0 =	sadd.s32 @!p0 $0x100000, s0  }
0xea: {  	[sflag:s0] =	ssyncadd.tile.s32 @!p0 $0x1;
	_ =	shalt  }
.Lfunc_end2:
_tile_overlayer_lowered:
.L_overlay_start_2:
0xeb: {  	(tag) =	ssettag $0x2  }
0xec: {  	s0 =	rddreg [dreg:$0x0];
	s2 =	stileid.u32  }
0xed: {  	s1 =	rddreg [dreg:$0x1];
	p0 =	sne.s32 s2, $0x0  }
0xee: {  	s3 =	rddreg [dreg:$0x2];
	[bflag:$0x3] =	sbarrier.arrive $0xFFFF;
	s2 =	simm.s32 @!p0 $0x1C05  }
0xef: {  	[timem:s3], [sflag:s2] =	dma.local @!p0 [hbm:s0], s1  }
0xf0: {  	s0 =	simm.s32 @!p0 $0x5  }
0xf1: {  	_ =	swait.ge @!p0 [sflag:s0], s1  }
0xf2: {  	s1 =	ssub.s32 @!p0 $0x0, s1;
	[sflag:s0] =	ssyncset.done @!p0 $0x0  }
0xf3: {  	[sflag:s0] =	ssyncadd.s32 @!p0 s1  }
0xf4: {  	[bflag:$0x3] =	sbarrier.arrive $0xFFFF  }
0xf5: {  	_ =	shalt  }

// kernel: kernel.9.cloned.1.call-start
scs
__scs_entry_jumppad:
0x0: {  	(pc) =	sbr.rel $0x88, $3  }
0x1: {  	(tag) =	ssettag $0x0;
	lr =	simm.s32 $0x1  }
0x2: {  	[smem:$0x3F94] =	sst lr;
	_ =	strace $0xD0000000  }
0x3: {  	_ = 	snop  }
0x4: {  	_ = 	snop  }
0x5: {  	_ = 	snop  }
0x6: {  	_ = 	snop  }
0x7: {  	_ = 	snop  }
__scs_overlays_trampoline_lowered:
0x8: {  	[smem:$0x3FA3] =	sst s0  }
0x9: {  	[smem:$0x3FA4] =	sst s1  }
0xa: {  	[smem:$0x3FA5] =	sst s2  }
0xb: {  	[smem:$0x3FA6] =	sst s3  }
0xc: {  	[smem:$0x3FA7] =	sst s4  }
0xd: {  	[smem:$0x3FA8] =	sst s5  }
0xe: {  	[smem:$0x3FA9] =	sst s6  }
0xf: {  	[smem:$0x3FAA] =	sst s7  }
0x10: {  	[smem:$0x3FAB] =	sst s8  }
0x11: {  	[smem:$0x3FAC] =	sst s9;
	s0 =	simm.s32 @!p0 $0x0  }
0x12: {  	s1 =	sld [smem:$0x3F92];
	s0 =	simm.s32 @p0 $0x1  }
0x13: {  	[smem:$0x3FAD] =	sst s0;
	s0 =	simm.s32 @!p1 $0x0  }
0x14: {  	s2 =	sld [smem:$0x3F91];
	s0 =	simm.s32 @p1 $0x1  }
0x15: {  	[smem:$0x3FAE] =	sst s0;
	s0 =	simm.s32 @!p2 $0x0  }
0x16: {  	s3 =	sld [smem:$0x3FDB];
	s0 =	simm.s32 @p2 $0x1  }
0x17: {  	s4 =	simm.s32 $0x1BF5;
	[smem:$0x3FB0] =	sst s0  }
0x18: {  	s0 =	sld [smem:$0x3F93];
	_ =	swait.ge [sflag:s4], $0x0  }
0x19: {  	s7 =	sld [smem:$0x3F94]  }
0x1a: {  	s8 =	sadd.s32 $0xFFFFE003, lr  }
0x1b: {  	s9 =	sadd.s32 $0xFFFFFEF7, lr;
	s5 =	simm.s32 $0xFFFFFFFF;
	p2 =	slt.u32 s8, $0xFFFFF086  }
0x1c: {  	p1 =	slt.u32 s9, $0xF7A;
	s5 =	simm.s32 @!p2 $0x0  }
0x1d: {  	s5 =	simm.s32 @p1 $0x1;
	p0 =	seq.s32 s7, s2  }
0x1e: {  	s7 =	smul.u32 @!p0 $0xF7A, s2;
	p2 =	seq.s32 @!p0 s5, $0x0  }
0x1f: {  	s9 =	smul.u32 $0xF7A, s1;
	s8 =	simm.s32 @!p0 $0x1BF5;
	p2 =	por !p2, p0  }
0x20: {  	[sflag:s8] =	ssyncset.s32 @!p0 $0xFFFFF086;
	s6 =	sadd.s32 @!p0 s3, s7;
	s7 =	simm.s32 @!p0 $0x108  }
0x21: {  	s3 =	sadd.s32 s3, s9;
	s6 =	sadd.s32 @!p0 $0x88, s6;
	s7 =	simm.s32 @p2 $0x1082  }
0x22: {  	[simem:s7], [sflag:s8] =	dma.local @!p0 [hbm:s6], $0xF7A  }
0x23: {  	s9 =	sor.u32 $0xD0000000, s2;
	s6 =	simm.s32 $0x108;
	_ =	swait.ge @!p0 [sflag:s8], $0x0  }
0x24: {  	s3 =	sadd.s32 $0x88, s3;
	s6 =	simm.s32 @!p1 $0x1082;
	[sflag:s4] =	ssyncset.s32 $0xFFFFF086  }
0x25: {  	[simem:s6], [sflag:s4] =	dma.local [hbm:s3], $0xF7A  }
0x26: {  	[smem:$0x3F94] =	sst s1;
	(tag) =	ssettag s2;
	_ =	strace s9  }
0x27: {  	s1 =	sld [smem:$0x3FA4]  }
0x28: {  	s2 =	sld [smem:$0x3FA5]  }
0x29: {  	s4 =	sld [smem:$0x3FA7]  }
0x2a: {  	p0 =	seq.s32 s5, $0x0;
	s5 =	sld [smem:$0x3FA8]  }
0x2b: {  	s6 =	sld [smem:$0x3FA9]  }
0x2c: {  	s7 =	sld [smem:$0x3FAA]  }
0x2d: {  	s3 =	simm.s32 $0x108;
	s8 =	sld [smem:$0x3FAB]  }
0x2e: {  	s3 =	simm.s32 @!p0 $0x1082;
	s9 =	sld [smem:$0x3FAC]  }
0x2f: {  	lr =	sadd.s32 s0, s3;
	s0 =	sld [smem:$0x3FA3]  }
0x30: {  	s3 =	sld [smem:$0x3FA6]  }
0x31: {  	[smem:$0x3FAF] =	sst s10  }
0x32: {  	s10 =	sld [smem:$0x3FAD];
	_ =	sdelay $0x3  }
0x33: {  	p0 =	seq.s32 s10, $0x1;
	s10 =	sld [smem:$0x3FAF];
	_ =	sdelay $0x3  }
0x34: {  	[smem:$0x3FAF] =	sst s10  }
0x35: {  	s10 =	sld [smem:$0x3FAE];
	_ =	sdelay $0x3  }
0x36: {  	p1 =	seq.s32 s10, $0x1;
	s10 =	sld [smem:$0x3FAF];
	_ =	sdelay $0x3  }
0x37: {  	[smem:$0x3FAF] =	sst s10  }
0x38: {  	s10 =	sld [smem:$0x3FB0]  }
0x39: {  	_ = 	snop;
	(pc) =	sbr.ind lr, $3  }
0x3a: {  	_ = 	snop  }
0x3b: {  	_ = 	snop  }
0x3c: {  	p2 =	seq.s32 s10, $0x1;
	s10 =	sld [smem:$0x3FAF]  }
0x3d: {  	_ =	shalt  }
0x3e: {  	_ =	shalt  }
0x3f: {  	_ =	shalt  }
0x40: {  	_ =	shalt  }
0x41: {  	_ =	shalt  }
0x42: {  	_ =	shalt  }
0x43: {  	_ =	shalt  }
0x44: {  	_ =	shalt  }
0x45: {  	_ =	shalt  }
0x46: {  	_ =	shalt  }
0x47: {  	_ =	shalt  }
0x48: {  	_ =	shalt  }
0x49: {  	_ =	shalt  }
0x4a: {  	_ =	shalt  }
0x4b: {  	_ =	shalt  }
0x4c: {  	_ =	shalt  }
0x4d: {  	_ =	shalt  }
0x4e: {  	_ =	shalt  }
0x4f: {  	_ =	shalt  }
0x50: {  	_ =	shalt  }
0x51: {  	_ =	shalt  }
0x52: {  	_ =	shalt  }
0x53: {  	_ =	shalt  }
0x54: {  	_ =	shalt  }
0x55: {  	_ =	shalt  }
0x56: {  	_ =	shalt  }
0x57: {  	_ =	shalt  }
0x58: {  	_ =	shalt  }
0x59: {  	_ =	shalt  }
0x5a: {  	_ =	shalt  }
0x5b: {  	_ =	shalt  }
0x5c: {  	_ =	shalt  }
0x5d: {  	_ =	shalt  }
0x5e: {  	_ =	shalt  }
0x5f: {  	_ =	shalt  }
0x60: {  	_ =	shalt  }
0x61: {  	_ =	shalt  }
0x62: {  	_ =	shalt  }
0x63: {  	_ =	shalt  }
0x64: {  	_ =	shalt  }
0x65: {  	_ =	shalt  }
0x66: {  	_ =	shalt  }
0x67: {  	_ =	shalt  }
0x68: {  	_ =	shalt  }
0x69: {  	_ =	shalt  }
0x6a: {  	_ =	shalt  }
0x6b: {  	_ =	shalt  }
0x6c: {  	_ =	shalt  }
0x6d: {  	_ =	shalt  }
0x6e: {  	_ =	shalt  }
0x6f: {  	_ =	shalt  }
0x70: {  	_ =	shalt  }
0x71: {  	_ =	shalt  }
0x72: {  	_ =	shalt  }
0x73: {  	_ =	shalt  }
0x74: {  	_ =	shalt  }
0x75: {  	_ =	shalt  }
0x76: {  	_ =	shalt  }
0x77: {  	_ =	shalt  }
0x78: {  	_ =	shalt  }
0x79: {  	_ =	shalt  }
0x7a: {  	_ =	shalt  }
0x7b: {  	_ =	shalt  }
0x7c: {  	_ =	shalt  }
0x7d: {  	_ =	shalt  }
0x7e: {  	_ =	shalt  }
0x7f: {  	_ =	shalt  }
0x80: {  	_ =	shalt  }
0x81: {  	_ =	shalt  }
0x82: {  	_ =	shalt  }
0x83: {  	_ =	shalt  }
0x84: {  	_ =	shalt  }
0x85: {  	_ =	shalt  }
0x86: {  	_ =	shalt  }
0x87: {  	_ =	shalt  }
.Lfunc_end0:
.L_simem_size_0:
called_computation.2_lowered:
.L_overlay_start_0:
0x88: {  	s2 =	sld [smem:$0x3FD9]  }
0x89: {  	s3 =	sld [smem:$0x3FFE];
	_ =	sdelay $0x1  }
0x8a: {  	s1 =	srdreg.scid  }
0x8b: {  	s0 =	sand.u32 $0x1, s1  }
0x8c: {  	s17 =	sshll.u32 s0, $0xA;
	s2 =	sadd.s32 s3, s2  }
0x8d: {  	s2 =	sadd.s32 s2, s17  }
0x8e: {  	[smem:$0x3FBB] =	sst s2  }
0x8f: {  	_ = 	snop  }
0x90: {  	(tm) =	ssettm $0x1  }
0x91: {  	s18 =	sld [smem:$0x3FFB];
	_ =	sdelay $0x3  }
0x92: {  	_ =	strace s18  }
0x93: {  	s2 =	sld [smem:$0x3FFC];
	_ =	sdelay $0x3  }
0x94: {  	_ =	strace s2  }
0x95: {  	s2 =	sld [smem:$0x3FFD];
	_ =	sdelay $0x3  }
0x96: {  	_ =	strace s2  }
0x97: {  	_ =	strace $0x8FFFFFFF  }
0x98: {  	s19 =	sld [smem:$0x3FDB];
	_ =	sdelay $0x1  }
0x99: {  	s20 =	simm.s32 $_scs_section_size  }
0x9a: {  	s4 =	simm.s32 $_size__tile_overlayer_lowered;
	s5 =	simm.s32 $_tile_overlayer_lowered  }
0x9b: {  	s6 =	simm.s32 $0x1BFF;
	s21 =	sshll.u32 s5, $0x1;
	s3 =	sadd.s32 s20, s19  }
0x9c: {  	s22 =	simm.s32 $0x0;
	s4 =	sshll.u32 s4, $0x1;
	s5 =	sadd.s32 s21, s3  }
0x9d: {  	[timem:s22], [sflag:s6] =	dma.local [hbm:s5], s4  }
0x9e: {  	_ =	swait.ge [sflag:s6], s4  }
0x9f: {  	s4 =	ssub.s32 $0x0, s4;
	[sflag:s6] =	ssyncset.done $0x0  }
0xa0: {  	[sflag:s6] =	ssyncadd.s32 s4;
	_ =	sdelay $0x1  }
0xa1: {  	s23 =	simm.s32 $0x1B8B  }
0xa2: {  	_ =	swait.ge [sflag:s23], $0x1  }
0xa3: {  	[sflag:s23] =	ssyncset.done $0x0  }
0xa4: {  	[sflag:s23] =	ssyncadd.s32 $0xFFFFFFFF  }
0xa5: {  	s4 =	sld [smem:$0x0]  }
0xa6: {  	s5 =	sand.u32 $0xFFFFFFFE, s1  }
0xa7: {  	p0 =	sne.s32 s1, s5  }
0xa8: {  	s5 =	sshll.u32 @p0 s5, $0xE  }
0xa9: {  	s5 =	sadd.s32 @p0 $0x11B8D, s5;
	s6 =	sshll.u32 @p0 s4, $0x11  }
0xaa: {  	s5 =	sor.u32 @p0 s6, s5  }
0xab: {  	[sflag:s5] =	ssyncadd.remote.s32 @p0 $0x1;
	_ =	sdelay $0x1  }
0xac: {  	s5 =	simm.s32 @p0 $0x1B8D  }
0xad: {  	_ =	swait.eq @p0 [sflag:s5], $0x1  }
0xae: {  	[sflag:s5] =	ssyncadd.s32 @p0 $0xFFFFFFFF  }
0xaf: {  	s6 =	sshll.u32 @!p0 s1, $0xE  }
0xb0: {  	s6 =	sor.u32 @!p0 $0x4000, s6;
	s5 =	simm.s32 @!p0 $0x1B8D  }
0xb1: {  	s4 =	sshll.u32 @!p0 s4, $0x11;
	s6 =	sadd.s32 @!p0 $0x11B8D, s6;
	_ =	swait.eq @!p0 [sflag:s5], $0x1  }
0xb2: {  	s4 =	sor.u32 @!p0 s4, s6;
	[sflag:s5] =	ssyncadd.s32 @!p0 $0xFFFFFFFF  }
0xb3: {  	s25 =	simm.s32 $0x1B8E;
	s24 =	sld [smem:$0x3FFE];
	[sflag:s4] =	ssyncadd.remote.s32 @!p0 $0x1  }
0xb4: {  	s26 =	simm.s32 $execute0_lowered;
	[smem:$0x3FD2] =	sst s25  }
0xb5: {  	s5 =	sshll.u32 s26, $0x1;
	_ =	strace $0x8000004C;
	[dreg:$0x1] =	wrdreg $0xFFFFFFFF  }
0xb6: {  	s28 =	simm.s32 $_size_execute0_lowered;
	s3 =	sadd.s32 s3, s5;
	[dreg:$0x0] =	wrdreg $0x0  }
0xb7: {  	s5 =	sshll.u32 s28, $0x1;
	[dreg:$0x2] =	wrdreg s3  }
0xb8: {  	[dreg:$0x3] =	wrdreg s5  }
0xb9: {  	[dreg:$0x4] =	wrdreg $0xC0  }
0xba: {  	_ =	task [dreg:s22], $0x5FFFF  }
0xbb: {  	[dreg:$0x1] =	wrdreg $0xFFFFFFFF  }
0xbc: {  	[dreg:$0x0] =	wrdreg $0x60  }
0xbd: {  	[dreg:$0x2] =	wrdreg s24  }
0xbe: {  	[dreg:$0x3] =	wrdreg $0xA  }
0xbf: {  	_ =	task.clear_ibuf [dreg:s22], $0x4FFFF;
	_ =	strace $0x9000004C  }
0xc0: {  	s29 =	simm.s32 $0xA;
	_ =	strace $0x8000004E  }
0xc1: {  	_ =	swait.ge [sflag:s29], $0x1  }
0xc2: {  	[sflag:s29] =	ssyncadd.s32 $0xFFFFFFFF  }
0xc3: {  	_ =	strace $0x9000004E  }
0xc4: {  	_ =	sfence  }
0xc5: {  	s30 =	sld [smem:$0x0];
	_ =	sdelay $0x2  }
0xc6: {  	s31 =	sshll.u32 s1, $0xD;
	s1 =	sshrl.u32 s1, $0x2  }
0xc7: {  	s4 =	sand.u32 $0x4000, s31;
	s1 =	sadd.s32 s1, s30  }
0xc8: {  	s0 =	sor.u32 s4, s0;
	s1 =	sshll.u32 s1, $0x11  }
0xc9: {  	s0 =	sor.u32 s1, s0  }
0xca: {  	s0 =	sadd.s32 $0x8F2B, s0  }
0xcb: {  	[sflag:s0] =	ssyncadd.remote.s32 $0x1  }
0xcc: {  	_ =	sfence.sel $0xFFFF  }
0xcd: {  	[dreg:$0x0] =	wrdreg $0xFFFFFFFF;
	(pc) =	sbr.abs _section_cstart, $3  }
0xce: {  	[dreg:$0x1] =	wrdreg $0xFFFFFFFF  }
0xcf: {  	_ =	task.clear_ibuf [dreg:s22], $0x2FFFF;
	_ =	strace $0x9FFFFFFF  }
0xd0: {  	(tm) =	ssettm $0x7FFFFFFF  }
0xd1: {  	_ =	shalt  }
tec
execute0_lowered:
.L_overlay_start_1:
0x0: {  	(tag) =	ssettag $0x1  }
0x1: {  	s0 =	srdreg.scid  }
0x2: {  	s2 =	stileid.u32;
	s1 =	rddreg [dreg:$0x0]  }
0x3: {  	s8 =	simm.s32 $0x5;
	s17 =	simm.s32 $0x1100;
	s18 =	simm.s32 $0x1900  }
0x4: {  	s19 =	simm.s32 $0x2100;
	s20 =	simm.s32 $0x2900;
	s28 =	simm.s32 $0x5100  }
0x5: {  	s29 =	simm.s32 $0x5900;
	s30 =	simm.s32 $0x6900;
	s31 =	simm.s32 $0x7100  }
0x6: {  	s12 =	simm.s32 $0xA100;
	s13 =	simm.s32 $0xB100;
	s14 =	simm.s32 $0xC100  }
0x7: {  	s0 =	sand.u32 $0x1, s0;
	s3 =	sshll.u32 s2, $0x6;
	s2 =	simm.s32 $0x0  }
0x8: {  	s6 =	sadd.s32 $0x77C00, s1;
	s4 =	sshll.u32 s0, $0x5;
	[smem:$0x7FF] =	sst s2  }
0x9: {  	s0 =	ssub.s32 $0x2, s0;
	s3 =	sor.u32 s4, s3;
	_ =	strace $0x8000004D  }
0xa: {  	s25 =	sshrl.u32 s0, $0x1;
	s4 =	smul.u32 $0x300, s3;
	s5 =	sadd.s32 s3, s1  }
0xb: {  	s3 =	smul.u32 $0x1800, s3;
	s0 =	ssub.s32 s0, s25;
	s5 =	sadd.s32 $0x77800, s5  }
0xc: {  	s25 =	simm.s32 $0x4100;
	s7 =	sadd.s32 s6, s4;
	[dreg:$0x2] =	wrdreg s5  }
0xd: {  	s3 =	sshrl.u32 s3, $0x3;
	s4 =	sadd.s32 $0xC00, s7;
	[dreg:$0xa] =	wrdreg s7  }
0xe: {  	s21 =	sadd.s32 $0x1800, s7;
	s3 =	sadd.s32 s6, s3;
	[dreg:$0x3] =	wrdreg s4  }
0xf: {  	s10 =	smax.u32 s0, $0x1;
	[dreg:$0x4] =	wrdreg s21;
	s22 =	sadd.s32 $0x2400, s3  }
0x10: {  	s5 =	sadd.s32 $0x900, s1;
	s23 =	sadd.s32 $0x3000, s3;
	[dreg:$0x5] =	wrdreg s22  }
0x11: {  	s6 =	sadd.s32 $0xA00, s1;
	s24 =	sadd.s32 $0x3C00, s3;
	[dreg:$0x6] =	wrdreg s23  }
0x12: {  	s4 =	sadd.s32 $0x800, s1;
	s26 =	sadd.s32 $0x4800, s3;
	[dreg:$0x7] =	wrdreg s24  }
0x13: {  	v2 =	vlaneseq.u32;
	s3 =	sadd.s32 $0x5400, s3;
	s21 =	simm.s32 $0xA900;
	[dreg:$0x8] =	wrdreg s26  }
0x14: {  	vm0 =	vmmov $0xffff;
	v1 =	vshrl.u32 v2, $0x3;
	s1 =	simm.s32 $0x12100;
	[dreg:$0x9] =	wrdreg s3;
	s23 =	simm.s32 $0x3100  }
0x15: {  	v0 =	vand.u32 $0x7, v2;
	v2 =	vor.u32 $0x8, v2;
	v1 =	vmul.u32 $0x8, v1;
	s24 =	simm.s32 $0x3900;
	s26 =	simm.s32 $0x4900;
	s22 =	simm.s32 $0x9900  }
.LBB2_1:
0x16: {  	s15 =	rddreg [dreg:$0x2]  }
0x17: {  	[tilespmem:s2], [sflag:$0x5] =	stream.linear.gather [hbm4b:s15+s2], $0x100, $0x38;
	[tilespmem:$0x18100] =	vst v63  }
0x18: {  	_ =	swait.ge [sflag:s8], $0x100  }
0x19: {  	[sflag:s8] =	ssyncset.done $0x0  }
0x1a: {  	[sflag:s8] =	ssyncadd.s32 $0xFFFFFF00  }
0x1b: {  	v3 =	vld [tilespmem:$0x0];
	_ =	sdelay $0x4  }
0x1c: {  	v4 =	vshrl.u32 v3, $0x3  }
0x1d: {  	v4 =	vmul.u32 $0x30, v4  }
0x1e: {  	v3 =	vand.u32 $0x7, v3  }
0x1f: {  	v3 =	vor.u32 v3, v4  }
0x20: {  	v4 =	vperm.xlane v3, v0;
	_ =	sdelay $0x1  }
0x21: {  	v4 =	vadd.s32 v1, v4;
	_ =	sdelay $0x3  }
0x22: {  	s0 =	simm.s32 $0x100;
	v3 =	vperm.xlane v3, v2  }
0x23: {  	[tilespmem:s0], [sflag:$0x1] =	stream.indirect_vreg.gather [hbm4b:s4+s2], $0x80, v4, vm0, $0xb8;
	[tilespmem:$0x18100] =	vst v63  }
0x24: {  	s16 =	simm.s32 $0x900;
	v3 =	vadd.s32 v1, v3  }
0x25: {  	[tilespmem:s16], [sflag:$0x1] =	stream.indirect_vreg.gather [hbm4b:s5+s2], $0x80, v4, vm0, $0xb8;
	[tilespmem:$0x18100] =	vst v63  }
0x26: {  	_ = 	snop  }
0x27: {  	[tilespmem:s17], [sflag:$0x1] =	stream.indirect_vreg.gather [hbm4b:s6+s2], $0x80, v4, vm0, $0xb8;
	[tilespmem:$0x18100] =	vst v63  }
0x28: {  	_ = 	snop  }
0x29: {  	[tilespmem:s18], [sflag:$0x1] =	stream.indirect_vreg.gather [hbm4b:s4+s2], $0x80, v3, vm0, $0xb8;
	[tilespmem:$0x18100] =	vst v63  }
0x2a: {  	_ = 	snop  }
0x2b: {  	[tilespmem:s19], [sflag:$0x1] =	stream.indirect_vreg.gather [hbm4b:s5+s2], $0x80, v3, vm0, $0xb8;
	[tilespmem:$0x18100] =	vst v63  }
0x2c: {  	_ = 	snop  }
0x2d: {  	[tilespmem:s20], [sflag:$0x1] =	stream.indirect_vreg.gather [hbm4b:s6+s2], $0x80, v3, vm0, $0xb8;
	[tilespmem:$0x18100] =	vst v63  }
0x2e: {  	v3 =	vld [tilespmem:$0x10];
	_ =	sdelay $0x4  }
0x2f: {  	v49 =	vshrl.u32 v3, $0x3  }
0x30: {  	v4 =	vmul.u32 $0x30, v49  }
0x31: {  	v3 =	vand.u32 $0x7, v3  }
0x32: {  	v3 =	vor.u32 v3, v4  }
0x33: {  	v4 =	vperm.xlane v3, v0;
	_ =	sdelay $0x1  }
0x34: {  	v4 =	vadd.s32 v1, v4;
	_ =	sdelay $0x3  }
0x35: {  	v3 =	vperm.xlane v3, v2  }
0x36: {  	[tilespmem:s23], [sflag:$0x1] =	stream.indirect_vreg.gather [hbm4b:s4+s2], $0x80, v4, vm0, $0xb8;
	[tilespmem:$0x18100] =	vst v63  }
0x37: {  	v3 =	vadd.s32 v1, v3  }
0x38: {  	[tilespmem:s24], [sflag:$0x1] =	stream.indirect_vreg.gather [hbm4b:s5+s2], $0x80, v4, vm0, $0xb8;
	[tilespmem:$0x18100] =	vst v63  }
0x39: {  	_ = 	snop  }
0x3a: {  	[tilespmem:s25], [sflag:$0x1] =	stream.indirect_vreg.gather [hbm4b:s6+s2], $0x80, v4, vm0, $0xb8;
	[tilespmem:$0x18100] =	vst v63  }
0x3b: {  	_ = 	snop  }
0x3c: {  	[tilespmem:s26], [sflag:$0x1] =	stream.indirect_vreg.gather [hbm4b:s4+s2], $0x80, v3, vm0, $0xb8;
	[tilespmem:$0x18100] =	vst v63  }
0x3d: {  	_ = 	snop  }
0x3e: {  	[tilespmem:s28], [sflag:$0x1] =	stream.indirect_vreg.gather [hbm4b:s5+s2], $0x80, v3, vm0, $0xb8;
	[tilespmem:$0x18100] =	vst v63  }
0x3f: {  	_ = 	snop  }
0x40: {  	[tilespmem:s29], [sflag:$0x1] =	stream.indirect_vreg.gather [hbm4b:s6+s2], $0x80, v3, vm0, $0xb8;
	[tilespmem:$0x18100] =	vst v63  }
0x41: {  	v3 =	vld [tilespmem:$0x20];
	_ =	sdelay $0x4  }
0x42: {  	v50 =	vshrl.u32 v3, $0x3  }
0x43: {  	v4 =	vmul.u32 $0x30, v50  }
0x44: {  	v3 =	vand.u32 $0x7, v3  }
0x45: {  	v3 =	vor.u32 v3, v4  }
0x46: {  	v4 =	vperm.xlane v3, v0;
	_ =	sdelay $0x1  }
0x47: {  	v4 =	vadd.s32 v1, v4;
	_ =	sdelay $0x3  }
0x48: {  	s7 =	simm.s32 $0x6100;
	v3 =	vperm.xlane v3, v2  }
0x49: {  	[tilespmem:s7], [sflag:$0x2] =	stream.indirect_vreg.gather [hbm4b:s4+s2], $0x80, v4, vm0, $0xb8;
	[tilespmem:$0x18100] =	vst v63  }
0x4a: {  	v3 =	vadd.s32 v1, v3  }
0x4b: {  	[tilespmem:s30], [sflag:$0x2] =	stream.indirect_vreg.gather [hbm4b:s5+s2], $0x80, v4, vm0, $0xb8;
	[tilespmem:$0x18100] =	vst v63  }
0x4c: {  	_ = 	snop  }
0x4d: {  	[tilespmem:s31], [sflag:$0x2] =	stream.indirect_vreg.gather [hbm4b:s6+s2], $0x80, v4, vm0, $0xb8;
	[tilespmem:$0x18100] =	vst v63  }
0x4e: {  	s9 =	simm.s32 $0x7900  }
0x4f: {  	[tilespmem:s9], [sflag:$0x2] =	stream.indirect_vreg.gather [hbm4b:s4+s2], $0x80, v3, vm0, $0xb8;
	[tilespmem:$0x18100] =	vst v63  }
0x50: {  	s11 =	simm.s32 $0x8100  }
0x51: {  	[tilespmem:s11], [sflag:$0x2] =	stream.indirect_vreg.gather [hbm4b:s5+s2], $0x80, v3, vm0, $0xb8;
	[tilespmem:$0x18100] =	vst v63  }
0x52: {  	s11 =	simm.s32 $0x8900  }
0x53: {  	[tilespmem:s11], [sflag:$0x2] =	stream.indirect_vreg.gather [hbm4b:s6+s2], $0x80, v3, vm0, $0xb8;
	[tilespmem:$0x18100] =	vst v63  }
0x54: {  	v3 =	vld [tilespmem:$0x30];
	_ =	sdelay $0x4  }
0x55: {  	v51 =	vshrl.u32 v3, $0x3  }
0x56: {  	v4 =	vmul.u32 $0x30, v51  }
0x57: {  	v3 =	vand.u32 $0x7, v3  }
0x58: {  	v3 =	vor.u32 v3, v4  }
0x59: {  	v4 =	vperm.xlane v3, v0;
	_ =	sdelay $0x1  }
0x5a: {  	v4 =	vadd.s32 v1, v4;
	_ =	sdelay $0x3  }
0x5b: {  	s9 =	simm.s32 $0x9100;
	v3 =	vperm.xlane v3, v2  }
0x5c: {  	[tilespmem:s9], [sflag:$0x2] =	stream.indirect_vreg.gather [hbm4b:s4+s2], $0x80, v4, vm0, $0xb8;
	[tilespmem:$0x18100] =	vst v63  }
0x5d: {  	v3 =	vadd.s32 v1, v3  }
0x5e: {  	[tilespmem:s22], [sflag:$0x2] =	stream.indirect_vreg.gather [hbm4b:s5+s2], $0x80, v4, vm0, $0xb8;
	[tilespmem:$0x18100] =	vst v63  }
0x5f: {  	_ = 	snop  }
0x60: {  	[tilespmem:s12], [sflag:$0x2] =	stream.indirect_vreg.gather [hbm4b:s6+s2], $0x80, v4, vm0, $0xb8;
	[tilespmem:$0x18100] =	vst v63  }
0x61: {  	_ = 	snop  }
0x62: {  	[tilespmem:s21], [sflag:$0x2] =	stream.indirect_vreg.gather [hbm4b:s4+s2], $0x80, v3, vm0, $0xb8;
	[tilespmem:$0x18100] =	vst v63  }
0x63: {  	_ = 	snop  }
0x64: {  	[tilespmem:s13], [sflag:$0x2] =	stream.indirect_vreg.gather [hbm4b:s5+s2], $0x80, v3, vm0, $0xb8;
	[tilespmem:$0x18100] =	vst v63  }
0x65: {  	s3 =	simm.s32 $0xB900  }
0x66: {  	[tilespmem:s3], [sflag:$0x2] =	stream.indirect_vreg.gather [hbm4b:s6+s2], $0x80, v3, vm0, $0xb8;
	[tilespmem:$0x18100] =	vst v63  }
0x67: {  	v3 =	vld [tilespmem:$0x40];
	_ =	sdelay $0x4  }
0x68: {  	v52 =	vshrl.u32 v3, $0x3  }
0x69: {  	v4 =	vmul.u32 $0x30, v52  }
0x6a: {  	v3 =	vand.u32 $0x7, v3  }
0x6b: {  	v3 =	vor.u32 v3, v4  }
0x6c: {  	v4 =	vperm.xlane v3, v0;
	_ =	sdelay $0x1  }
0x6d: {  	v4 =	vadd.s32 v1, v4;
	_ =	sdelay $0x3  }
0x6e: {  	v3 =	vperm.xlane v3, v2  }
0x6f: {  	[tilespmem:s14], [sflag:$0x3] =	stream.indirect_vreg.gather [hbm4b:s4+s2], $0x80, v4, vm0, $0xb8;
	[tilespmem:$0x18100] =	vst v63  }
0x70: {  	s15 =	simm.s32 $0xC900;
	v3 =	vadd.s32 v1, v3  }
0x71: {  	[tilespmem:s15], [sflag:$0x3] =	stream.indirect_vreg.gather [hbm4b:s5+s2], $0x80, v4, vm0, $0xb8;
	[tilespmem:$0x18100] =	vst v63  }
0x72: {  	s7 =	simm.s32 $0xD100  }
0x73: {  	[tilespmem:s7], [sflag:$0x3] =	stream.indirect_vreg.gather [hbm4b:s6+s2], $0x80, v4, vm0, $0xb8;
	[tilespmem:$0x18100] =	vst v63  }
0x74: {  	s15 =	simm.s32 $0xD900  }
0x75: {  	[tilespmem:s15], [sflag:$0x3] =	stream.indirect_vreg.gather [hbm4b:s4+s2], $0x80, v3, vm0, $0xb8;
	[tilespmem:$0x18100] =	vst v63  }
0x76: {  	s7 =	simm.s32 $0xE100  }
0x77: {  	[tilespmem:s7], [sflag:$0x3] =	stream.indirect_vreg.gather [hbm4b:s5+s2], $0x80, v3, vm0, $0xb8;
	[tilespmem:$0x18100] =	vst v63  }
0x78: {  	s15 =	simm.s32 $0xE900  }
0x79: {  	[tilespmem:s15], [sflag:$0x3] =	stream.indirect_vreg.gather [hbm4b:s6+s2], $0x80, v3, vm0, $0xb8;
	[tilespmem:$0x18100] =	vst v63  }
0x7a: {  	v3 =	vld [tilespmem:$0x50];
	_ =	sdelay $0x4  }
0x7b: {  	v53 =	vshrl.u32 v3, $0x3  }
0x7c: {  	v4 =	vmul.u32 $0x30, v53  }
0x7d: {  	v3 =	vand.u32 $0x7, v3  }
0x7e: {  	v3 =	vor.u32 v3, v4  }
0x7f: {  	v4 =	vperm.xlane v3, v0;
	_ =	sdelay $0x1  }
0x80: {  	v4 =	vadd.s32 v1, v4;
	_ =	sdelay $0x3  }
0x81: {  	s7 =	simm.s32 $0xF100;
	v3 =	vperm.xlane v3, v2  }
0x82: {  	[tilespmem:s7], [sflag:$0x3] =	stream.indirect_vreg.gather [hbm4b:s4+s2], $0x80, v4, vm0, $0xb8;
	[tilespmem:$0x18100] =	vst v63  }
0x83: {  	s15 =	simm.s32 $0xF900;
	v3 =	vadd.s32 v1, v3  }
0x84: {  	[tilespmem:s15], [sflag:$0x3] =	stream.indirect_vreg.gather [hbm4b:s5+s2], $0x80, v4, vm0, $0xb8;
	[tilespmem:$0x18100] =	vst v63  }
0x85: {  	s7 =	simm.s32 $0x10100  }
0x86: {  	[tilespmem:s7], [sflag:$0x3] =	stream.indirect_vreg.gather [hbm4b:s6+s2], $0x80, v4, vm0, $0xb8;
	[tilespmem:$0x18100] =	vst v63  }
0x87: {  	s15 =	simm.s32 $0x10900  }
0x88: {  	[tilespmem:s15], [sflag:$0x3] =	stream.indirect_vreg.gather [hbm4b:s4+s2], $0x80, v3, vm0, $0xb8;
	[tilespmem:$0x18100] =	vst v63  }
0x89: {  	s7 =	simm.s32 $0x11100  }
0x8a: {  	[tilespmem:s7], [sflag:$0x3] =	stream.indirect_vreg.gather [hbm4b:s5+s2], $0x80, v3, vm0, $0xb8;
	[tilespmem:$0x18100] =	vst v63  }
0x8b: {  	s15 =	simm.s32 $0x11900  }
0x8c: {  	[tilespmem:s15], [sflag:$0x3] =	stream.indirect_vreg.gather [hbm4b:s6+s2], $0x80, v3, vm0, $0xb8;
	[tilespmem:$0x18100] =	vst v63  }
0x8d: {  	v3 =	vld [tilespmem:$0x60];
	_ =	sdelay $0x4  }
0x8e: {  	v54 =	vshrl.u32 v3, $0x3  }
0x8f: {  	v4 =	vmul.u32 $0x30, v54  }
0x90: {  	v3 =	vand.u32 $0x7, v3  }
0x91: {  	v3 =	vor.u32 v3, v4  }
0x92: {  	v4 =	vperm.xlane v3, v0;
	_ =	sdelay $0x1  }
0x93: {  	v4 =	vadd.s32 v1, v4;
	_ =	sdelay $0x3  }
0x94: {  	v3 =	vperm.xlane v3, v2  }
0x95: {  	[tilespmem:s1], [sflag:$0x4] =	stream.indirect_vreg.gather [hbm4b:s4+s2], $0x80, v4, vm0, $0xb8;
	[tilespmem:$0x18100] =	vst v63  }
0x96: {  	s7 =	simm.s32 $0x12900;
	v3 =	vadd.s32 v1, v3  }
0x97: {  	[tilespmem:s7], [sflag:$0x4] =	stream.indirect_vreg.gather [hbm4b:s5+s2], $0x80, v4, vm0, $0xb8;
	[tilespmem:$0x18100] =	vst v63  }
0x98: {  	s15 =	simm.s32 $0x13100  }
0x99: {  	[tilespmem:s15], [sflag:$0x4] =	stream.indirect_vreg.gather [hbm4b:s6+s2], $0x80, v4, vm0, $0xb8;
	[tilespmem:$0x18100] =	vst v63  }
0x9a: {  	s7 =	simm.s32 $0x13900  }
0x9b: {  	[tilespmem:s7], [sflag:$0x4] =	stream.indirect_vreg.gather [hbm4b:s4+s2], $0x80, v3, vm0, $0xb8;
	[tilespmem:$0x18100] =	vst v63  }
0x9c: {  	s15 =	simm.s32 $0x14100  }
0x9d: {  	[tilespmem:s15], [sflag:$0x4] =	stream.indirect_vreg.gather [hbm4b:s5+s2], $0x80, v3, vm0, $0xb8;
	[tilespmem:$0x18100] =	vst v63  }
0x9e: {  	s7 =	simm.s32 $0x14900  }
0x9f: {  	[tilespmem:s7], [sflag:$0x4] =	stream.indirect_vreg.gather [hbm4b:s6+s2], $0x80, v3, vm0, $0xb8;
	[tilespmem:$0x18100] =	vst v63  }
0xa0: {  	v3 =	vld [tilespmem:$0x70];
	_ =	sdelay $0x4  }
0xa1: {  	v55 =	vshrl.u32 v3, $0x3  }
0xa2: {  	v4 =	vmul.u32 $0x30, v55  }
0xa3: {  	v3 =	vand.u32 $0x7, v3  }
0xa4: {  	v3 =	vor.u32 v3, v4  }
0xa5: {  	v4 =	vperm.xlane v3, v0;
	_ =	sdelay $0x1  }
0xa6: {  	v4 =	vadd.s32 v1, v4;
	_ =	sdelay $0x3  }
0xa7: {  	s15 =	simm.s32 $0x15100;
	v3 =	vperm.xlane v3, v2  }
0xa8: {  	[tilespmem:s15], [sflag:$0x4] =	stream.indirect_vreg.gather [hbm4b:s4+s2], $0x80, v4, vm0, $0xb8;
	[tilespmem:$0x18100] =	vst v63  }
0xa9: {  	s7 =	simm.s32 $0x15900;
	v3 =	vadd.s32 v1, v3  }
0xaa: {  	[tilespmem:s7], [sflag:$0x4] =	stream.indirect_vreg.gather [hbm4b:s5+s2], $0x80, v4, vm0, $0xb8;
	[tilespmem:$0x18100] =	vst v63  }
0xab: {  	s15 =	simm.s32 $0x16100  }
0xac: {  	[tilespmem:s15], [sflag:$0x4] =	stream.indirect_vreg.gather [hbm4b:s6+s2], $0x80, v4, vm0, $0xb8;
	[tilespmem:$0x18100] =	vst v63  }
0xad: {  	s7 =	simm.s32 $0x16900  }
0xae: {  	[tilespmem:s7], [sflag:$0x4] =	stream.indirect_vreg.gather [hbm4b:s4+s2], $0x80, v3, vm0, $0xb8;
	[tilespmem:$0x18100] =	vst v63  }
0xaf: {  	s15 =	simm.s32 $0x17100  }
0xb0: {  	[tilespmem:s15], [sflag:$0x4] =	stream.indirect_vreg.gather [hbm4b:s5+s2], $0x80, v3, vm0, $0xb8;
	[tilespmem:$0x18100] =	vst v63  }
0xb1: {  	s0 =	simm.s32 $0x1;
	s7 =	simm.s32 $0x17900  }
0xb2: {  	[tilespmem:s7], [sflag:$0x4] =	stream.indirect_vreg.gather [hbm4b:s6+s2], $0x80, v3, vm0, $0xb8;
	[tilespmem:$0x18100] =	vst v63  }
0xb3: {  	_ =	swait.ge [sflag:s0], $0x6000  }
0xb4: {  	[sflag:s0] =	ssyncset.done $0x0  }
0xb5: {  	s7 =	simm.s32 $0x100;
	s15 =	rddreg [dreg:$0xa];
	[sflag:s0] =	ssyncadd.s32 $0xFFFFA000  }
0xb6: {  	[hbm4b:s15+s2] =	stream.linear.scatter [tilespmem:s7], [sflag:$0x5], $0x6000, $0x38;
	[tilespmem:$0x18100] =	vst v63  }
0xb7: {  	_ =	swait.ge [sflag:s8], $0x6000  }
0xb8: {  	[sflag:s8] =	ssyncset.done $0x0  }
0xb9: {  	[sflag:s8] =	ssyncadd.s32 $0xFFFFA000  }
0xba: {  	v3 =	vld [tilespmem:$0x80];
	_ =	sdelay $0x4  }
0xbb: {  	v56 =	vshrl.u32 v3, $0x3  }
0xbc: {  	v4 =	vmul.u32 $0x30, v56  }
0xbd: {  	v3 =	vand.u32 $0x7, v3  }
0xbe: {  	v3 =	vor.u32 v3, v4  }
0xbf: {  	v4 =	vperm.xlane v3, v0;
	_ =	sdelay $0x1  }
0xc0: {  	v4 =	vadd.s32 v1, v4;
	_ =	sdelay $0x3  }
0xc1: {  	v3 =	vperm.xlane v3, v2  }
0xc2: {  	[tilespmem:s7], [sflag:$0x1] =	stream.indirect_vreg.gather [hbm4b:s4+s2], $0x80, v4, vm0, $0xb8;
	[tilespmem:$0x18100] =	vst v63  }
0xc3: {  	v3 =	vadd.s32 v1, v3  }
0xc4: {  	[tilespmem:s16], [sflag:$0x1] =	stream.indirect_vreg.gather [hbm4b:s5+s2], $0x80, v4, vm0, $0xb8;
	[tilespmem:$0x18100] =	vst v63  }
0xc5: {  	_ = 	snop  }
0xc6: {  	[tilespmem:s17], [sflag:$0x1] =	stream.indirect_vreg.gather [hbm4b:s6+s2], $0x80, v4, vm0, $0xb8;
	[tilespmem:$0x18100] =	vst v63  }
0xc7: {  	_ = 	snop  }
0xc8: {  	[tilespmem:s18], [sflag:$0x1] =	stream.indirect_vreg.gather [hbm4b:s4+s2], $0x80, v3, vm0, $0xb8;
	[tilespmem:$0x18100] =	vst v63  }
0xc9: {  	_ = 	snop  }
0xca: {  	[tilespmem:s19], [sflag:$0x1] =	stream.indirect_vreg.gather [hbm4b:s5+s2], $0x80, v3, vm0, $0xb8;
	[tilespmem:$0x18100] =	vst v63  }
0xcb: {  	_ = 	snop  }
0xcc: {  	[tilespmem:s20], [sflag:$0x1] =	stream.indirect_vreg.gather [hbm4b:s6+s2], $0x80, v3, vm0, $0xb8;
	[tilespmem:$0x18100] =	vst v63  }
0xcd: {  	v3 =	vld [tilespmem:$0x90];
	_ =	sdelay $0x4  }
0xce: {  	v57 =	vshrl.u32 v3, $0x3  }
0xcf: {  	v4 =	vmul.u32 $0x30, v57  }
0xd0: {  	v3 =	vand.u32 $0x7, v3  }
0xd1: {  	v3 =	vor.u32 v3, v4  }
0xd2: {  	v4 =	vperm.xlane v3, v0;
	_ =	sdelay $0x1  }
0xd3: {  	v4 =	vadd.s32 v1, v4;
	_ =	sdelay $0x3  }
0xd4: {  	v3 =	vperm.xlane v3, v2  }
0xd5: {  	[tilespmem:s23], [sflag:$0x1] =	stream.indirect_vreg.gather [hbm4b:s4+s2], $0x80, v4, vm0, $0xb8;
	[tilespmem:$0x18100] =	vst v63  }
0xd6: {  	v3 =	vadd.s32 v1, v3  }
0xd7: {  	[tilespmem:s24], [sflag:$0x1] =	stream.indirect_vreg.gather [hbm4b:s5+s2], $0x80, v4, vm0, $0xb8;
	[tilespmem:$0x18100] =	vst v63  }
0xd8: {  	_ = 	snop  }
0xd9: {  	[tilespmem:s25], [sflag:$0x1] =	stream.indirect_vreg.gather [hbm4b:s6+s2], $0x80, v4, vm0, $0xb8;
	[tilespmem:$0x18100] =	vst v63  }
0xda: {  	_ = 	snop  }
0xdb: {  	[tilespmem:s26], [sflag:$0x1] =	stream.indirect_vreg.gather [hbm4b:s4+s2], $0x80, v3, vm0, $0xb8;
	[tilespmem:$0x18100] =	vst v63  }
0xdc: {  	_ = 	snop  }
0xdd: {  	[tilespmem:s28], [sflag:$0x1] =	stream.indirect_vreg.gather [hbm4b:s5+s2], $0x80, v3, vm0, $0xb8;
	[tilespmem:$0x18100] =	vst v63  }
0xde: {  	s16 =	simm.s32 $0x2  }
0xdf: {  	[tilespmem:s29], [sflag:$0x1] =	stream.indirect_vreg.gather [hbm4b:s6+s2], $0x80, v3, vm0, $0xb8;
	[tilespmem:$0x18100] =	vst v63  }
0xe0: {  	_ =	swait.ge [sflag:s16], $0x6000  }
0xe1: {  	[sflag:s16] =	ssyncset.done $0x0  }
0xe2: {  	s7 =	simm.s32 $0x6100;
	s15 =	rddreg [dreg:$0x3];
	[sflag:s16] =	ssyncadd.s32 $0xFFFFA000  }
0xe3: {  	[hbm4b:s15+s2] =	stream.linear.scatter [tilespmem:s7], [sflag:$0x5], $0x6000, $0x38;
	[tilespmem:$0x18100] =	vst v63  }
0xe4: {  	_ =	swait.ge [sflag:s8], $0x6000  }
0xe5: {  	[sflag:s8] =	ssyncset.done $0x0  }
0xe6: {  	[sflag:s8] =	ssyncadd.s32 $0xFFFFA000  }
0xe7: {  	v3 =	vld [tilespmem:$0xA0];
	_ =	sdelay $0x4  }
0xe8: {  	v58 =	vshrl.u32 v3, $0x3  }
0xe9: {  	v4 =	vmul.u32 $0x30, v58  }
0xea: {  	v3 =	vand.u32 $0x7, v3  }
0xeb: {  	v3 =	vor.u32 v3, v4  }
0xec: {  	v4 =	vperm.xlane v3, v0;
	_ =	sdelay $0x1  }
0xed: {  	v4 =	vadd.s32 v1, v4;
	_ =	sdelay $0x3  }
0xee: {  	v3 =	vperm.xlane v3, v2  }
0xef: {  	[tilespmem:s7], [sflag:$0x2] =	stream.indirect_vreg.gather [hbm4b:s4+s2], $0x80, v4, vm0, $0xb8;
	[tilespmem:$0x18100] =	vst v63  }
0xf0: {  	v3 =	vadd.s32 v1, v3  }
0xf1: {  	[tilespmem:s30], [sflag:$0x2] =	stream.indirect_vreg.gather [hbm4b:s5+s2], $0x80, v4, vm0, $0xb8;
	[tilespmem:$0x18100] =	vst v63  }
0xf2: {  	_ = 	snop  }
0xf3: {  	[tilespmem:s31], [sflag:$0x2] =	stream.indirect_vreg.gather [hbm4b:s6+s2], $0x80, v4, vm0, $0xb8;
	[tilespmem:$0x18100] =	vst v63  }
0xf4: {  	s15 =	simm.s32 $0x7900  }
0xf5: {  	[tilespmem:s15], [sflag:$0x2] =	stream.indirect_vreg.gather [hbm4b:s4+s2], $0x80, v3, vm0, $0xb8;
	[tilespmem:$0x18100] =	vst v63  }
0xf6: {  	s15 =	simm.s32 $0x8100  }
0xf7: {  	[tilespmem:s15], [sflag:$0x2] =	stream.indirect_vreg.gather [hbm4b:s5+s2], $0x80, v3, vm0, $0xb8;
	[tilespmem:$0x18100] =	vst v63  }
0xf8: {  	_ = 	snop  }
0xf9: {  	[tilespmem:s11], [sflag:$0x2] =	stream.indirect_vreg.gather [hbm4b:s6+s2], $0x80, v3, vm0, $0xb8;
	[tilespmem:$0x18100] =	vst v63  }
0xfa: {  	v3 =	vld [tilespmem:$0xB0];
	_ =	sdelay $0x4  }
0xfb: {  	v59 =	vshrl.u32 v3, $0x3  }
0xfc: {  	v4 =	vmul.u32 $0x30, v59  }
0xfd: {  	v3 =	vand.u32 $0x7, v3  }
0xfe: {  	v3 =	vor.u32 v3, v4  }
0xff: {  	v4 =	vperm.xlane v3, v0;
	_ =	sdelay $0x1  }
0x100: {  	v4 =	vadd.s32 v1, v4;
	_ =	sdelay $0x3  }
0x101: {  	v3 =	vperm.xlane v3, v2  }
0x102: {  	[tilespmem:s9], [sflag:$0x2] =	stream.indirect_vreg.gather [hbm4b:s4+s2], $0x80, v4, vm0, $0xb8;
	[tilespmem:$0x18100] =	vst v63  }
0x103: {  	v3 =	vadd.s32 v1, v3  }
0x104: {  	[tilespmem:s22], [sflag:$0x2] =	stream.indirect_vreg.gather [hbm4b:s5+s2], $0x80, v4, vm0, $0xb8;
	[tilespmem:$0x18100] =	vst v63  }
0x105: {  	_ = 	snop  }
0x106: {  	[tilespmem:s12], [sflag:$0x2] =	stream.indirect_vreg.gather [hbm4b:s6+s2], $0x80, v4, vm0, $0xb8;
	[tilespmem:$0x18100] =	vst v63  }
0x107: {  	_ = 	snop  }
0x108: {  	[tilespmem:s21], [sflag:$0x2] =	stream.indirect_vreg.gather [hbm4b:s4+s2], $0x80, v3, vm0, $0xb8;
	[tilespmem:$0x18100] =	vst v63  }
0x109: {  	_ = 	snop  }
0x10a: {  	[tilespmem:s13], [sflag:$0x2] =	stream.indirect_vreg.gather [hbm4b:s5+s2], $0x80, v3, vm0, $0xb8;
	[tilespmem:$0x18100] =	vst v63  }
0x10b: {  	_ = 	snop  }
0x10c: {  	[tilespmem:s3], [sflag:$0x2] =	stream.indirect_vreg.gather [hbm4b:s6+s2], $0x80, v3, vm0, $0xb8;
	[tilespmem:$0x18100] =	vst v63  }
0x10d: {  	s3 =	simm.s32 $0x3  }
0x10e: {  	_ =	swait.ge [sflag:s3], $0x6000  }
0x10f: {  	[sflag:s3] =	ssyncset.done $0x0  }
0x110: {  	s11 =	rddreg [dreg:$0x4];
	[sflag:s3] =	ssyncadd.s32 $0xFFFFA000  }
0x111: {  	[hbm4b:s11+s2] =	stream.linear.scatter [tilespmem:s14], [sflag:$0x5], $0x6000, $0x38;
	[tilespmem:$0x18100] =	vst v63  }
0x112: {  	_ =	swait.ge [sflag:s8], $0x6000  }
0x113: {  	[sflag:s8] =	ssyncset.done $0x0  }
0x114: {  	[sflag:s8] =	ssyncadd.s32 $0xFFFFA000  }
0x115: {  	v3 =	vld [tilespmem:$0xC0];
	_ =	sdelay $0x4  }
0x116: {  	v60 =	vshrl.u32 v3, $0x3  }
0x117: {  	v4 =	vmul.u32 $0x30, v60  }
0x118: {  	v3 =	vand.u32 $0x7, v3  }
0x119: {  	v3 =	vor.u32 v3, v4  }
0x11a: {  	v4 =	vperm.xlane v3, v0;
	_ =	sdelay $0x1  }
0x11b: {  	v4 =	vadd.s32 v1, v4;
	_ =	sdelay $0x3  }
0x11c: {  	v3 =	vperm.xlane v3, v2  }
0x11d: {  	[tilespmem:s14], [sflag:$0x3] =	stream.indirect_vreg.gather [hbm4b:s4+s2], $0x80, v4, vm0, $0xb8;
	[tilespmem:$0x18100] =	vst v63  }
0x11e: {  	s15 =	simm.s32 $0xC900;
	v3 =	vadd.s32 v1, v3  }
0x11f: {  	[tilespmem:s15], [sflag:$0x3] =	stream.indirect_vreg.gather [hbm4b:s5+s2], $0x80, v4, vm0, $0xb8;
	[tilespmem:$0x18100] =	vst v63  }
0x120: {  	s11 =	simm.s32 $0xD100  }
0x121: {  	[tilespmem:s11], [sflag:$0x3] =	stream.indirect_vreg.gather [hbm4b:s6+s2], $0x80, v4, vm0, $0xb8;
	[tilespmem:$0x18100] =	vst v63  }
0x122: {  	s15 =	simm.s32 $0xD900  }
0x123: {  	[tilespmem:s15], [sflag:$0x3] =	stream.indirect_vreg.gather [hbm4b:s4+s2], $0x80, v3, vm0, $0xb8;
	[tilespmem:$0x18100] =	vst v63  }
0x124: {  	s11 =	simm.s32 $0xE100  }
0x125: {  	[tilespmem:s11], [sflag:$0x3] =	stream.indirect_vreg.gather [hbm4b:s5+s2], $0x80, v3, vm0, $0xb8;
	[tilespmem:$0x18100] =	vst v63  }
0x126: {  	s15 =	simm.s32 $0xE900  }
0x127: {  	[tilespmem:s15], [sflag:$0x3] =	stream.indirect_vreg.gather [hbm4b:s6+s2], $0x80, v3, vm0, $0xb8;
	[tilespmem:$0x18100] =	vst v63  }
0x128: {  	v3 =	vld [tilespmem:$0xD0];
	_ =	sdelay $0x4  }
0x129: {  	v61 =	vshrl.u32 v3, $0x3  }
0x12a: {  	v4 =	vmul.u32 $0x30, v61  }
0x12b: {  	v3 =	vand.u32 $0x7, v3  }
0x12c: {  	v3 =	vor.u32 v3, v4  }
0x12d: {  	v4 =	vperm.xlane v3, v0;
	_ =	sdelay $0x1  }
0x12e: {  	v4 =	vadd.s32 v1, v4;
	_ =	sdelay $0x3  }
0x12f: {  	s11 =	simm.s32 $0xF100;
	v3 =	vperm.xlane v3, v2  }
0x130: {  	[tilespmem:s11], [sflag:$0x3] =	stream.indirect_vreg.gather [hbm4b:s4+s2], $0x80, v4, vm0, $0xb8;
	[tilespmem:$0x18100] =	vst v63  }
0x131: {  	s15 =	simm.s32 $0xF900;
	v3 =	vadd.s32 v1, v3  }
0x132: {  	[tilespmem:s15], [sflag:$0x3] =	stream.indirect_vreg.gather [hbm4b:s5+s2], $0x80, v4, vm0, $0xb8;
	[tilespmem:$0x18100] =	vst v63  }
0x133: {  	s11 =	simm.s32 $0x10100  }
0x134: {  	[tilespmem:s11], [sflag:$0x3] =	stream.indirect_vreg.gather [hbm4b:s6+s2], $0x80, v4, vm0, $0xb8;
	[tilespmem:$0x18100] =	vst v63  }
0x135: {  	s15 =	simm.s32 $0x10900  }
0x136: {  	[tilespmem:s15], [sflag:$0x3] =	stream.indirect_vreg.gather [hbm4b:s4+s2], $0x80, v3, vm0, $0xb8;
	[tilespmem:$0x18100] =	vst v63  }
0x137: {  	s11 =	simm.s32 $0x11100  }
0x138: {  	[tilespmem:s11], [sflag:$0x3] =	stream.indirect_vreg.gather [hbm4b:s5+s2], $0x80, v3, vm0, $0xb8;
	[tilespmem:$0x18100] =	vst v63  }
0x139: {  	s9 =	simm.s32 $0x4;
	s15 =	simm.s32 $0x11900  }
0x13a: {  	[tilespmem:s15], [sflag:$0x3] =	stream.indirect_vreg.gather [hbm4b:s6+s2], $0x80, v3, vm0, $0xb8;
	[tilespmem:$0x18100] =	vst v63  }
0x13b: {  	_ =	swait.ge [sflag:s9], $0x6000  }
0x13c: {  	[sflag:s9] =	ssyncset.done $0x0  }
0x13d: {  	s11 =	rddreg [dreg:$0x5];
	[sflag:s9] =	ssyncadd.s32 $0xFFFFA000  }
0x13e: {  	[hbm4b:s11+s2] =	stream.linear.scatter [tilespmem:s1], [sflag:$0x5], $0x6000, $0x38;
	[tilespmem:$0x18100] =	vst v63  }
0x13f: {  	_ =	swait.ge [sflag:s8], $0x6000  }
0x140: {  	[sflag:s8] =	ssyncset.done $0x0  }
0x141: {  	[sflag:s8] =	ssyncadd.s32 $0xFFFFA000  }
0x142: {  	v3 =	vld [tilespmem:$0xE0];
	_ =	sdelay $0x4  }
0x143: {  	v62 =	vshrl.u32 v3, $0x3  }
0x144: {  	v4 =	vmul.u32 $0x30, v62  }
0x145: {  	v3 =	vand.u32 $0x7, v3  }
0x146: {  	v3 =	vor.u32 v3, v4  }
0x147: {  	v4 =	vperm.xlane v3, v0;
	_ =	sdelay $0x1  }
0x148: {  	v4 =	vadd.s32 v1, v4;
	_ =	sdelay $0x3  }
0x149: {  	v3 =	vperm.xlane v3, v2  }
0x14a: {  	[tilespmem:s1], [sflag:$0x4] =	stream.indirect_vreg.gather [hbm4b:s4+s2], $0x80, v4, vm0, $0xb8;
	[tilespmem:$0x18100] =	vst v63  }
0x14b: {  	s15 =	simm.s32 $0x12900;
	v3 =	vadd.s32 v1, v3  }
0x14c: {  	[tilespmem:s15], [sflag:$0x4] =	stream.indirect_vreg.gather [hbm4b:s5+s2], $0x80, v4, vm0, $0xb8;
	[tilespmem:$0x18100] =	vst v63  }
0x14d: {  	s15 =	simm.s32 $0x13100  }
0x14e: {  	[tilespmem:s15], [sflag:$0x4] =	stream.indirect_vreg.gather [hbm4b:s6+s2], $0x80, v4, vm0, $0xb8;
	[tilespmem:$0x18100] =	vst v63  }
0x14f: {  	s15 =	simm.s32 $0x13900  }
0x150: {  	[tilespmem:s15], [sflag:$0x4] =	stream.indirect_vreg.gather [hbm4b:s4+s2], $0x80, v3, vm0, $0xb8;
	[tilespmem:$0x18100] =	vst v63  }
0x151: {  	s15 =	simm.s32 $0x14100  }
0x152: {  	[tilespmem:s15], [sflag:$0x4] =	stream.indirect_vreg.gather [hbm4b:s5+s2], $0x80, v3, vm0, $0xb8;
	[tilespmem:$0x18100] =	vst v63  }
0x153: {  	s15 =	simm.s32 $0x14900  }
0x154: {  	[tilespmem:s15], [sflag:$0x4] =	stream.indirect_vreg.gather [hbm4b:s6+s2], $0x80, v3, vm0, $0xb8;
	[tilespmem:$0x18100] =	vst v63  }
0x155: {  	v3 =	vld [tilespmem:$0xF0];
	_ =	sdelay $0x4  }
0x156: {  	v63 =	vshrl.u32 v3, $0x3  }
0x157: {  	v4 =	vmul.u32 $0x30, v63  }
0x158: {  	v3 =	vand.u32 $0x7, v3  }
0x159: {  	v3 =	vor.u32 v3, v4  }
0x15a: {  	v4 =	vperm.xlane v3, v0;
	_ =	sdelay $0x1  }
0x15b: {  	v4 =	vadd.s32 v1, v4;
	_ =	sdelay $0x3  }
0x15c: {  	s15 =	simm.s32 $0x15100;
	v3 =	vperm.xlane v3, v2  }
0x15d: {  	[tilespmem:s15], [sflag:$0x4] =	stream.indirect_vreg.gather [hbm4b:s4+s2], $0x80, v4, vm0, $0xb8;
	[tilespmem:$0x18100] =	vst v63  }
0x15e: {  	v3 =	vadd.s32 v1, v3;
	s15 =	simm.s32 $0x15900  }
0x15f: {  	[tilespmem:s15], [sflag:$0x4] =	stream.indirect_vreg.gather [hbm4b:s5+s2], $0x80, v4, vm0, $0xb8;
	[tilespmem:$0x18100] =	vst v63  }
0x160: {  	s15 =	simm.s32 $0x16100  }
0x161: {  	[tilespmem:s15], [sflag:$0x4] =	stream.indirect_vreg.gather [hbm4b:s6+s2], $0x80, v4, vm0, $0xb8;
	[tilespmem:$0x18100] =	vst v63  }
0x162: {  	s15 =	simm.s32 $0x16900  }
0x163: {  	[tilespmem:s15], [sflag:$0x4] =	stream.indirect_vreg.gather [hbm4b:s4+s2], $0x80, v3, vm0, $0xb8;
	[tilespmem:$0x18100] =	vst v63  }
0x164: {  	s15 =	simm.s32 $0x17100  }
0x165: {  	[tilespmem:s15], [sflag:$0x4] =	stream.indirect_vreg.gather [hbm4b:s5+s2], $0x80, v3, vm0, $0xb8;
	[tilespmem:$0x18100] =	vst v63  }
0x166: {  	s15 =	simm.s32 $0x17900  }
0x167: {  	[tilespmem:s15], [sflag:$0x4] =	stream.indirect_vreg.gather [hbm4b:s6+s2], $0x80, v3, vm0, $0xb8;
	[tilespmem:$0x18100] =	vst v63  }
0x168: {  	_ =	swait.ge [sflag:s0], $0x6000  }
0x169: {  	[sflag:s0] =	ssyncset.done $0x0  }
0x16a: {  	s11 =	simm.s32 $0x100;
	s15 =	rddreg [dreg:$0x6];
	[sflag:s0] =	ssyncadd.s32 $0xFFFFA000  }
0x16b: {  	[hbm4b:s15+s2] =	stream.linear.scatter [tilespmem:s11], [sflag:$0x5], $0x6000, $0x38;
	[tilespmem:$0x18100] =	vst v63  }
0x16c: {  	_ =	swait.ge [sflag:s8], $0x6000  }
0x16d: {  	[sflag:s8] =	ssyncset.done $0x0  }
0x16e: {  	[sflag:s8] =	ssyncadd.s32 $0xFFFFA000  }
0x16f: {  	_ =	swait.ge [sflag:s16], $0x6000  }
0x170: {  	[sflag:s16] =	ssyncset.done $0x0  }
0x171: {  	s7 =	simm.s32 $0x6100;
	s0 =	rddreg [dreg:$0x7];
	[sflag:s16] =	ssyncadd.s32 $0xFFFFA000  }
0x172: {  	[hbm4b:s0+s2] =	stream.linear.scatter [tilespmem:s7], [sflag:$0x5], $0x6000, $0x38;
	[tilespmem:$0x18100] =	vst v63  }
0x173: {  	_ =	swait.ge [sflag:s8], $0x6000  }
0x174: {  	[sflag:s8] =	ssyncset.done $0x0  }
0x175: {  	[sflag:s8] =	ssyncadd.s32 $0xFFFFA000  }
0x176: {  	_ =	swait.ge [sflag:s3], $0x6000  }
0x177: {  	[sflag:s3] =	ssyncset.done $0x0  }
0x178: {  	s11 =	rddreg [dreg:$0x8];
	[sflag:s3] =	ssyncadd.s32 $0xFFFFA000  }
0x179: {  	[hbm4b:s11+s2] =	stream.linear.scatter [tilespmem:s14], [sflag:$0x5], $0x6000, $0x38;
	[tilespmem:$0x18100] =	vst v63  }
0x17a: {  	_ =	swait.ge [sflag:s8], $0x6000  }
0x17b: {  	[sflag:s8] =	ssyncset.done $0x0  }
0x17c: {  	[sflag:s8] =	ssyncadd.s32 $0xFFFFA000  }
0x17d: {  	_ =	swait.ge [sflag:s9], $0x6000  }
0x17e: {  	p0 =	sne.s32 s10, $0x1;
	[sflag:s9] =	ssyncset.done $0x0  }
.Ltmp0:
0x17f: {  	s16 =	rddreg [dreg:$0x9];
	[sflag:s9] =	ssyncadd.s32 $0xFFFFA000;
	(pc) =	sbr.rel @p0 .LBB2_1-.Ltmp0, $4  }
0x180: {  	[hbm4b:s16+s2] =	stream.linear.scatter [tilespmem:s1], [sflag:$0x5], $0x6000, $0x38;
	[tilespmem:$0x18100] =	vst v63  }
0x181: {  	_ =	swait.ge [sflag:s8], $0x6000  }
0x182: {  	[sflag:s8] =	ssyncset.done $0x0  }
0x183: {  	s10 =	sadd.s32 $0xFFFFFFFF, s10;
	[sflag:s8] =	ssyncadd.s32 $0xFFFFA000  }
0x184: {  	_ =	sfence.sel $0x180000  }
0x185: {  	[bflag:$0x0] =	sbarrier.arrive $0xFFFF  }
0x186: {  	_ =	strace $0x9000004D  }
0x187: {  	s0 =	stileid.u32;
	[bflag:$0x2] =	sbarrier.arrive $0xFFFF  }
0x188: {  	p0 =	sne.s32 s0, $0x0;
	s0 =	rddreg [dreg:$0x1]  }
0x189: {  	s0 =	sadd.s32 @!p0 $0x100000, s0  }
0x18a: {  	[sflag:s0] =	ssyncadd.tile.s32 @!p0 $0x1;
	_ =	shalt  }
.Lfunc_end2:
_tile_overlayer_lowered:
.L_overlay_start_2:
0x18b: {  	(tag) =	ssettag $0x2  }
0x18c: {  	s0 =	rddreg [dreg:$0x0];
	s2 =	stileid.u32  }
0x18d: {  	s1 =	rddreg [dreg:$0x1];
	p0 =	sne.s32 s2, $0x0  }
0x18e: {  	s3 =	rddreg [dreg:$0x2];
	[bflag:$0x3] =	sbarrier.arrive $0xFFFF;
	s2 =	simm.s32 @!p0 $0x1C05  }
0x18f: {  	[timem:s3], [sflag:s2] =	dma.local @!p0 [hbm:s0], s1  }
0x190: {  	s0 =	simm.s32 @!p0 $0x5  }
0x191: {  	_ =	swait.ge @!p0 [sflag:s0], s1  }
0x192: {  	s1 =	ssub.s32 @!p0 $0x0, s1;
	[sflag:s0] =	ssyncset.done @!p0 $0x0  }
0x193: {  	[sflag:s0] =	ssyncadd.s32 @!p0 s1  }
0x194: {  	[bflag:$0x3] =	sbarrier.arrive $0xFFFF  }
0x195: {  	_ =	shalt  }

// kernel: scatter_offload_async_start
scs
__scs_entry_jumppad:
0x0: {  	(pc) =	sbr.rel $0x88, $3  }
0x1: {  	(tag) =	ssettag $0x0;
	lr =	simm.s32 $0x1  }
0x2: {  	[smem:$0x3F94] =	sst lr;
	_ =	strace $0xD0000000  }
0x3: {  	_ = 	snop  }
0x4: {  	_ = 	snop  }
0x5: {  	_ = 	snop  }
0x6: {  	_ = 	snop  }
0x7: {  	_ = 	snop  }
__scs_overlays_trampoline_lowered:
0x8: {  	[smem:$0x3FA3] =	sst s0  }
0x9: {  	[smem:$0x3FA4] =	sst s1  }
0xa: {  	[smem:$0x3FA5] =	sst s2  }
0xb: {  	[smem:$0x3FA6] =	sst s3  }
0xc: {  	[smem:$0x3FA7] =	sst s4  }
0xd: {  	[smem:$0x3FA8] =	sst s5  }
0xe: {  	[smem:$0x3FA9] =	sst s6  }
0xf: {  	[smem:$0x3FAA] =	sst s7  }
0x10: {  	[smem:$0x3FAB] =	sst s8  }
0x11: {  	[smem:$0x3FAC] =	sst s9;
	s0 =	simm.s32 @!p0 $0x0  }
0x12: {  	s1 =	sld [smem:$0x3F92];
	s0 =	simm.s32 @p0 $0x1  }
0x13: {  	[smem:$0x3FAD] =	sst s0;
	s0 =	simm.s32 @!p1 $0x0  }
0x14: {  	s2 =	sld [smem:$0x3F91];
	s0 =	simm.s32 @p1 $0x1  }
0x15: {  	[smem:$0x3FAE] =	sst s0;
	s0 =	simm.s32 @!p2 $0x0  }
0x16: {  	s3 =	sld [smem:$0x3FDB];
	s0 =	simm.s32 @p2 $0x1  }
0x17: {  	s4 =	simm.s32 $0x1BF5;
	[smem:$0x3FB0] =	sst s0  }
0x18: {  	s0 =	sld [smem:$0x3F93];
	_ =	swait.ge [sflag:s4], $0x0  }
0x19: {  	s7 =	sld [smem:$0x3F94]  }
0x1a: {  	s8 =	sadd.s32 $0xFFFFE003, lr  }
0x1b: {  	s9 =	sadd.s32 $0xFFFFFEF7, lr;
	s5 =	simm.s32 $0xFFFFFFFF;
	p2 =	slt.u32 s8, $0xFFFFF086  }
0x1c: {  	p1 =	slt.u32 s9, $0xF7A;
	s5 =	simm.s32 @!p2 $0x0  }
0x1d: {  	s5 =	simm.s32 @p1 $0x1;
	p0 =	seq.s32 s7, s2  }
0x1e: {  	s7 =	smul.u32 @!p0 $0xF7A, s2;
	p2 =	seq.s32 @!p0 s5, $0x0  }
0x1f: {  	s9 =	smul.u32 $0xF7A, s1;
	s8 =	simm.s32 @!p0 $0x1BF5;
	p2 =	por !p2, p0  }
0x20: {  	[sflag:s8] =	ssyncset.s32 @!p0 $0xFFFFF086;
	s6 =	sadd.s32 @!p0 s3, s7;
	s7 =	simm.s32 @!p0 $0x108  }
0x21: {  	s3 =	sadd.s32 s3, s9;
	s6 =	sadd.s32 @!p0 $0x88, s6;
	s7 =	simm.s32 @p2 $0x1082  }
0x22: {  	[simem:s7], [sflag:s8] =	dma.local @!p0 [hbm:s6], $0xF7A  }
0x23: {  	s9 =	sor.u32 $0xD0000000, s2;
	s6 =	simm.s32 $0x108;
	_ =	swait.ge @!p0 [sflag:s8], $0x0  }
0x24: {  	s3 =	sadd.s32 $0x88, s3;
	s6 =	simm.s32 @!p1 $0x1082;
	[sflag:s4] =	ssyncset.s32 $0xFFFFF086  }
0x25: {  	[simem:s6], [sflag:s4] =	dma.local [hbm:s3], $0xF7A  }
0x26: {  	[smem:$0x3F94] =	sst s1;
	(tag) =	ssettag s2;
	_ =	strace s9  }
0x27: {  	s1 =	sld [smem:$0x3FA4]  }
0x28: {  	s2 =	sld [smem:$0x3FA5]  }
0x29: {  	s4 =	sld [smem:$0x3FA7]  }
0x2a: {  	p0 =	seq.s32 s5, $0x0;
	s5 =	sld [smem:$0x3FA8]  }
0x2b: {  	s6 =	sld [smem:$0x3FA9]  }
0x2c: {  	s7 =	sld [smem:$0x3FAA]  }
0x2d: {  	s3 =	simm.s32 $0x108;
	s8 =	sld [smem:$0x3FAB]  }
0x2e: {  	s3 =	simm.s32 @!p0 $0x1082;
	s9 =	sld [smem:$0x3FAC]  }
0x2f: {  	lr =	sadd.s32 s0, s3;
	s0 =	sld [smem:$0x3FA3]  }
0x30: {  	s3 =	sld [smem:$0x3FA6]  }
0x31: {  	[smem:$0x3FAF] =	sst s10  }
0x32: {  	s10 =	sld [smem:$0x3FAD];
	_ =	sdelay $0x3  }
0x33: {  	p0 =	seq.s32 s10, $0x1;
	s10 =	sld [smem:$0x3FAF];
	_ =	sdelay $0x3  }
0x34: {  	[smem:$0x3FAF] =	sst s10  }
0x35: {  	s10 =	sld [smem:$0x3FAE];
	_ =	sdelay $0x3  }
0x36: {  	p1 =	seq.s32 s10, $0x1;
	s10 =	sld [smem:$0x3FAF];
	_ =	sdelay $0x3  }
0x37: {  	[smem:$0x3FAF] =	sst s10  }
0x38: {  	s10 =	sld [smem:$0x3FB0]  }
0x39: {  	_ = 	snop;
	(pc) =	sbr.ind lr, $3  }
0x3a: {  	_ = 	snop  }
0x3b: {  	_ = 	snop  }
0x3c: {  	p2 =	seq.s32 s10, $0x1;
	s10 =	sld [smem:$0x3FAF]  }
0x3d: {  	_ =	shalt  }
0x3e: {  	_ =	shalt  }
0x3f: {  	_ =	shalt  }
0x40: {  	_ =	shalt  }
0x41: {  	_ =	shalt  }
0x42: {  	_ =	shalt  }
0x43: {  	_ =	shalt  }
0x44: {  	_ =	shalt  }
0x45: {  	_ =	shalt  }
0x46: {  	_ =	shalt  }
0x47: {  	_ =	shalt  }
0x48: {  	_ =	shalt  }
0x49: {  	_ =	shalt  }
0x4a: {  	_ =	shalt  }
0x4b: {  	_ =	shalt  }
0x4c: {  	_ =	shalt  }
0x4d: {  	_ =	shalt  }
0x4e: {  	_ =	shalt  }
0x4f: {  	_ =	shalt  }
0x50: {  	_ =	shalt  }
0x51: {  	_ =	shalt  }
0x52: {  	_ =	shalt  }
0x53: {  	_ =	shalt  }
0x54: {  	_ =	shalt  }
0x55: {  	_ =	shalt  }
0x56: {  	_ =	shalt  }
0x57: {  	_ =	shalt  }
0x58: {  	_ =	shalt  }
0x59: {  	_ =	shalt  }
0x5a: {  	_ =	shalt  }
0x5b: {  	_ =	shalt  }
0x5c: {  	_ =	shalt  }
0x5d: {  	_ =	shalt  }
0x5e: {  	_ =	shalt  }
0x5f: {  	_ =	shalt  }
0x60: {  	_ =	shalt  }
0x61: {  	_ =	shalt  }
0x62: {  	_ =	shalt  }
0x63: {  	_ =	shalt  }
0x64: {  	_ =	shalt  }
0x65: {  	_ =	shalt  }
0x66: {  	_ =	shalt  }
0x67: {  	_ =	shalt  }
0x68: {  	_ =	shalt  }
0x69: {  	_ =	shalt  }
0x6a: {  	_ =	shalt  }
0x6b: {  	_ =	shalt  }
0x6c: {  	_ =	shalt  }
0x6d: {  	_ =	shalt  }
0x6e: {  	_ =	shalt  }
0x6f: {  	_ =	shalt  }
0x70: {  	_ =	shalt  }
0x71: {  	_ =	shalt  }
0x72: {  	_ =	shalt  }
0x73: {  	_ =	shalt  }
0x74: {  	_ =	shalt  }
0x75: {  	_ =	shalt  }
0x76: {  	_ =	shalt  }
0x77: {  	_ =	shalt  }
0x78: {  	_ =	shalt  }
0x79: {  	_ =	shalt  }
0x7a: {  	_ =	shalt  }
0x7b: {  	_ =	shalt  }
0x7c: {  	_ =	shalt  }
0x7d: {  	_ =	shalt  }
0x7e: {  	_ =	shalt  }
0x7f: {  	_ =	shalt  }
0x80: {  	_ =	shalt  }
0x81: {  	_ =	shalt  }
0x82: {  	_ =	shalt  }
0x83: {  	_ =	shalt  }
0x84: {  	_ =	shalt  }
0x85: {  	_ =	shalt  }
0x86: {  	_ =	shalt  }
0x87: {  	_ =	shalt  }
.Lfunc_end0:
.L_simem_size_0:
called_computation_lowered:
.L_overlay_start_0:
0x88: {  	s0 =	sld [smem:$0x3FD9]  }
0x89: {  	s1 =	sld [smem:$0x3FFE];
	_ =	sdelay $0x3  }
0x8a: {  	s0 =	sadd.s32 s1, s0  }
0x8b: {  	[smem:$0x3FBB] =	sst s0  }
0x8c: {  	_ = 	snop  }
0x8d: {  	(tm) =	ssettm $0x1  }
0x8e: {  	s15 =	sld [smem:$0x3FFB];
	_ =	sdelay $0x3  }
0x8f: {  	_ =	strace s15  }
0x90: {  	s0 =	sld [smem:$0x3FFC];
	_ =	sdelay $0x3  }
0x91: {  	_ =	strace s0  }
0x92: {  	s0 =	sld [smem:$0x3FFD];
	_ =	sdelay $0x3  }
0x93: {  	_ =	strace s0  }
0x94: {  	_ =	strace $0x8FFFFFFF  }
0x95: {  	s16 =	sld [smem:$0x3FDB];
	_ =	sdelay $0x1  }
0x96: {  	s17 =	simm.s32 $_scs_section_size  }
0x97: {  	s2 =	simm.s32 $_size__tile_overlayer_lowered;
	s3 =	simm.s32 $_tile_overlayer_lowered  }
0x98: {  	s20 =	simm.s32 $0x1BFF;
	s19 =	sshll.u32 s3, $0x1;
	s0 =	sadd.s32 s17, s16  }
0x99: {  	s4 =	simm.s32 $0x0;
	s18 =	sshll.u32 s2, $0x1;
	s2 =	sadd.s32 s19, s0  }
0x9a: {  	[timem:s4], [sflag:s20] =	dma.local [hbm:s2], s18  }
0x9b: {  	_ =	swait.ge [sflag:s20], s18  }
0x9c: {  	s1 =	ssub.s32 $0x0, s18;
	[sflag:s20] =	ssyncset.done $0x0  }
0x9d: {  	[sflag:s20] =	ssyncadd.s32 s1;
	_ =	sdelay $0x1  }
0x9e: {  	s21 =	simm.s32 $0x1B8B  }
0x9f: {  	_ =	swait.ge [sflag:s21], $0x1  }
0xa0: {  	[sflag:s21] =	ssyncset.done $0x0  }
0xa1: {  	s23 =	simm.s32 $0x1B8E;
	s22 =	sld [smem:$0x3FFE];
	[sflag:s21] =	ssyncadd.s32 $0xFFFFFFFF  }
0xa2: {  	s24 =	simm.s32 $execute0_lowered;
	[smem:$0x3FD2] =	sst s23  }
0xa3: {  	s2 =	sshll.u32 s24, $0x1;
	_ =	strace $0x80000046;
	[dreg:$0x1] =	wrdreg $0xFFFFFFFF  }
0xa4: {  	s25 =	simm.s32 $_size_execute0_lowered;
	s0 =	sadd.s32 s0, s2;
	[dreg:$0x0] =	wrdreg $0x0  }
0xa5: {  	s2 =	sshll.u32 s25, $0x1;
	[dreg:$0x2] =	wrdreg s0  }
0xa6: {  	[dreg:$0x3] =	wrdreg s2  }
0xa7: {  	[dreg:$0x4] =	wrdreg $0xC0  }
0xa8: {  	_ =	task [dreg:s4], $0x5FFFF  }
0xa9: {  	[dreg:$0x1] =	wrdreg $0xFFFFFFFF  }
0xaa: {  	[dreg:$0x0] =	wrdreg $0x60  }
0xab: {  	[dreg:$0x2] =	wrdreg s22  }
0xac: {  	[dreg:$0x3] =	wrdreg $0x9  }
0xad: {  	_ =	task.clear_ibuf [dreg:s4], $0x4FFFF;
	_ =	strace $0x90000046  }
0xae: {  	s26 =	simm.s32 $0x9;
	_ =	strace $0x80000048  }
0xaf: {  	_ =	swait.ge [sflag:s26], $0x1  }
0xb0: {  	[sflag:s26] =	ssyncadd.s32 $0xFFFFFFFF  }
0xb1: {  	_ =	strace $0x90000048  }
0xb2: {  	_ =	sfence  }
0xb3: {  	s28 =	sld [smem:$0x0];
	_ =	sdelay $0x1  }
0xb4: {  	s29 =	srdreg.scid  }
0xb5: {  	s30 =	sshll.u32 s29, $0xD;
	s31 =	sshrl.u32 s29, $0x2  }
0xb6: {  	s1 =	sand.u32 $0x1, s29;
	s2 =	sand.u32 $0x4000, s30;
	s0 =	sadd.s32 s31, s28  }
0xb7: {  	s1 =	sor.u32 s2, s1;
	s0 =	sshll.u32 s0, $0x11  }
0xb8: {  	s0 =	sor.u32 s0, s1  }
0xb9: {  	s0 =	sadd.s32 $0x8F2B, s0  }
0xba: {  	[sflag:s0] =	ssyncadd.remote.s32 $0x1  }
0xbb: {  	_ =	sfence.sel $0xFFFF  }
0xbc: {  	[dreg:$0x0] =	wrdreg $0xFFFFFFFF;
	(pc) =	sbr.abs _section_cstart, $3  }
0xbd: {  	[dreg:$0x1] =	wrdreg $0xFFFFFFFF  }
0xbe: {  	_ =	task.clear_ibuf [dreg:s4], $0x2FFFF;
	_ =	strace $0x9FFFFFFF  }
0xbf: {  	(tm) =	ssettm $0x7FFFFFFF  }
tec
execute0_lowered:
.L_overlay_start_1:
0x0: {  	(tag) =	ssettag $0x1  }
0x1: {  	s5 =	rddreg [dreg:$0x0]  }
0x2: {  	s0 =	rddreg [dreg:$0x1];
	_ =	strace $0x80000047;
	s6 =	stileid.u32  }
0x3: {  	s3 =	simm.s32 $0x3E;
	s1 =	sadd.s32 $0x61200, s5;
	p0 =	sne.s32 s6, $0x0  }
0x4: {  	[sflag:s3] =	ssyncpa.u1 $0x0;
	s4 =	simm.s32 @!p0 $0x1C3E;
	s2 =	simm.s32 @!p0 $0x0  }
0x5: {  	[spmem:s2], [sflag:s4] =	dma.local @!p0 [hbm:s1], $0x10  }
0x6: {  	s4 =	simm.s32 @!p0 $0x3E  }
0x7: {  	_ =	swait.ge @!p0 [sflag:s4], $0x10  }
0x8: {  	[sflag:s4] =	ssyncset.done @!p0 $0x0  }
0x9: {  	s9 =	simm.s32 $0x108;
	[sflag:s4] =	ssyncadd.s32 @!p0 $0xFFFFFFF0  }
0xa: {  	s7 =	sadd.s32 $0x60800, s5;
	s8 =	sadd.s32 $0x61000, s5;
	[bflag:$0x0] =	sbarrier.arrive $0xFFFF  }
0xb: {  	s6 =	sshll.u32 s6, $0x5;
	[sflag:s3] =	ssyncpa.u1 $0x1;
	s3 =	simm.s32 $0x1  }
0xc: {  	s5 =	simm.s32 $0x0;
	s4 =	simm.s32 $0x2;
	[sflag:s3] =	ssyncpa.u1 $0x0  }
0xd: {  	s7 =	sadd.s32 s7, s6;
	(ifvalue) =	ssetifvalue $0x80;
	[sflag:s4] =	ssyncpa.u1 $0x0  }
0xe: {  	[tilespmem:s9], [sflag:$0x2] =	stream.linear.gather [hbm4b:s7+s5], $0x100, $0x38;
	[tilespmem:$0x408] =	vst v63  }
0xf: {  	s23 =	simm.s32 $0x308;
	s6 =	sadd.s32 s8, s6  }
0x10: {  	[tilespmem:s23], [sflag:$0x2] =	stream.linear.gather [hbm4b:s6+s5], $0x100, $0x38;
	[tilespmem:$0x408] =	vst v63  }
0x11: {  	_ =	swait.ge [sflag:s4], $0x200  }
0x12: {  	[sflag:s4] =	ssyncset.done $0x0  }
0x13: {  	[sflag:s4] =	ssyncadd.s32 $0xFFFFFE00  }
0x14: {  	v0 =	vld.msk [tilespmem:s9+$0x0 ss:$0x1], $0xffff;
	_ =	sdelay $0x4  }
0x15: {  	v0 =	vmin.u32 v0, $0x80;
	_ =	sdelay $0x3  }
0x16: {  	vm0 =	vmmov $0xffff;
	s24 =	simm.s32 $0x118  }
0x17: {  	[spmem:s5] =	stream.indirect_vreg.scatter.add.s32 [tilespmem:s23], [sflag:$0x1], $0x1, v0, vm0, $0x4038;
	[tilespmem:$0x408] =	vst v63  }
0x18: {  	v0 =	vld.msk [tilespmem:s24+$0x0 ss:$0x1], $0xffff;
	_ =	sdelay $0x4  }
0x19: {  	v0 =	vmin.u32 v0, $0x80;
	_ =	sdelay $0x3  }
0x1a: {  	s25 =	simm.s32 $0x318;
	s26 =	simm.s32 $0x128  }
0x1b: {  	[spmem:s5] =	stream.indirect_vreg.scatter.add.s32 [tilespmem:s25], [sflag:$0x1], $0x1, v0, vm0, $0x4038;
	[tilespmem:$0x408] =	vst v63  }
0x1c: {  	v0 =	vld.msk [tilespmem:s26+$0x0 ss:$0x1], $0xffff;
	_ =	sdelay $0x4  }
0x1d: {  	v0 =	vmin.u32 v0, $0x80;
	_ =	sdelay $0x3  }
0x1e: {  	s28 =	simm.s32 $0x328;
	s29 =	simm.s32 $0x138  }
0x1f: {  	[spmem:s5] =	stream.indirect_vreg.scatter.add.s32 [tilespmem:s28], [sflag:$0x1], $0x1, v0, vm0, $0x4038;
	[tilespmem:$0x408] =	vst v63  }
0x20: {  	v0 =	vld.msk [tilespmem:s29+$0x0 ss:$0x1], $0xffff;
	_ =	sdelay $0x4  }
0x21: {  	v0 =	vmin.u32 v0, $0x80;
	_ =	sdelay $0x3  }
0x22: {  	s30 =	simm.s32 $0x338;
	s31 =	simm.s32 $0x148  }
0x23: {  	[spmem:s5] =	stream.indirect_vreg.scatter.add.s32 [tilespmem:s30], [sflag:$0x1], $0x1, v0, vm0, $0x4038;
	[tilespmem:$0x408] =	vst v63  }
0x24: {  	v0 =	vld.msk [tilespmem:s31+$0x0 ss:$0x1], $0xffff;
	_ =	sdelay $0x4  }
0x25: {  	v0 =	vmin.u32 v0, $0x80;
	_ =	sdelay $0x3  }
0x26: {  	s8 =	simm.s32 $0x158;
	s7 =	simm.s32 $0x348  }
0x27: {  	[spmem:s5] =	stream.indirect_vreg.scatter.add.s32 [tilespmem:s7], [sflag:$0x1], $0x1, v0, vm0, $0x4038;
	[tilespmem:$0x408] =	vst v63  }
0x28: {  	v0 =	vld.msk [tilespmem:s8+$0x0 ss:$0x1], $0xffff;
	_ =	sdelay $0x4  }
0x29: {  	v0 =	vmin.u32 v0, $0x80;
	_ =	sdelay $0x3  }
0x2a: {  	s10 =	simm.s32 $0x168;
	s9 =	simm.s32 $0x358  }
0x2b: {  	[spmem:s5] =	stream.indirect_vreg.scatter.add.s32 [tilespmem:s9], [sflag:$0x1], $0x1, v0, vm0, $0x4038;
	[tilespmem:$0x408] =	vst v63  }
0x2c: {  	v0 =	vld.msk [tilespmem:s10+$0x0 ss:$0x1], $0xffff;
	_ =	sdelay $0x4  }
0x2d: {  	v0 =	vmin.u32 v0, $0x80;
	_ =	sdelay $0x3  }
0x2e: {  	s11 =	simm.s32 $0x368;
	s12 =	simm.s32 $0x178  }
0x2f: {  	[spmem:s5] =	stream.indirect_vreg.scatter.add.s32 [tilespmem:s11], [sflag:$0x1], $0x1, v0, vm0, $0x4038;
	[tilespmem:$0x408] =	vst v63  }
0x30: {  	v0 =	vld.msk [tilespmem:s12+$0x0 ss:$0x1], $0xffff;
	_ =	sdelay $0x4  }
0x31: {  	v0 =	vmin.u32 v0, $0x80;
	_ =	sdelay $0x3  }
0x32: {  	s13 =	simm.s32 $0x378;
	s14 =	simm.s32 $0x188  }
0x33: {  	[spmem:s5] =	stream.indirect_vreg.scatter.add.s32 [tilespmem:s13], [sflag:$0x1], $0x1, v0, vm0, $0x4038;
	[tilespmem:$0x408] =	vst v63  }
0x34: {  	v0 =	vld.msk [tilespmem:s14+$0x0 ss:$0x1], $0xffff;
	_ =	sdelay $0x4  }
0x35: {  	v0 =	vmin.u32 v0, $0x80;
	_ =	sdelay $0x3  }
0x36: {  	s15 =	simm.s32 $0x388;
	s16 =	simm.s32 $0x198  }
0x37: {  	[spmem:s5] =	stream.indirect_vreg.scatter.add.s32 [tilespmem:s15], [sflag:$0x1], $0x1, v0, vm0, $0x4038;
	[tilespmem:$0x408] =	vst v63  }
0x38: {  	v0 =	vld.msk [tilespmem:s16+$0x0 ss:$0x1], $0xffff;
	_ =	sdelay $0x4  }
0x39: {  	v0 =	vmin.u32 v0, $0x80;
	_ =	sdelay $0x3  }
0x3a: {  	s17 =	simm.s32 $0x398;
	s18 =	simm.s32 $0x1A8  }
0x3b: {  	[spmem:s5] =	stream.indirect_vreg.scatter.add.s32 [tilespmem:s17], [sflag:$0x1], $0x1, v0, vm0, $0x4038;
	[tilespmem:$0x408] =	vst v63  }
0x3c: {  	v0 =	vld.msk [tilespmem:s18+$0x0 ss:$0x1], $0xffff;
	_ =	sdelay $0x4  }
0x3d: {  	v0 =	vmin.u32 v0, $0x80;
	_ =	sdelay $0x3  }
0x3e: {  	s19 =	simm.s32 $0x3A8;
	s20 =	simm.s32 $0x1B8  }
0x3f: {  	[spmem:s5] =	stream.indirect_vreg.scatter.add.s32 [tilespmem:s19], [sflag:$0x1], $0x1, v0, vm0, $0x4038;
	[tilespmem:$0x408] =	vst v63  }
0x40: {  	v0 =	vld.msk [tilespmem:s20+$0x0 ss:$0x1], $0xffff;
	_ =	sdelay $0x4  }
0x41: {  	v0 =	vmin.u32 v0, $0x80;
	_ =	sdelay $0x3  }
0x42: {  	s21 =	simm.s32 $0x3B8;
	s22 =	simm.s32 $0x1C8  }
0x43: {  	[spmem:s5] =	stream.indirect_vreg.scatter.add.s32 [tilespmem:s21], [sflag:$0x1], $0x1, v0, vm0, $0x4038;
	[tilespmem:$0x408] =	vst v63  }
0x44: {  	v0 =	vld.msk [tilespmem:s22+$0x0 ss:$0x1], $0xffff;
	_ =	sdelay $0x4  }
0x45: {  	v0 =	vmin.u32 v0, $0x80;
	_ =	sdelay $0x3  }
0x46: {  	s23 =	simm.s32 $0x3C8;
	s24 =	simm.s32 $0x1D8  }
0x47: {  	[spmem:s5] =	stream.indirect_vreg.scatter.add.s32 [tilespmem:s23], [sflag:$0x1], $0x1, v0, vm0, $0x4038;
	[tilespmem:$0x408] =	vst v63  }
0x48: {  	v0 =	vld.msk [tilespmem:s24+$0x0 ss:$0x1], $0xffff;
	_ =	sdelay $0x4  }
0x49: {  	v0 =	vmin.u32 v0, $0x80;
	_ =	sdelay $0x3  }
0x4a: {  	s25 =	simm.s32 $0x3D8;
	s26 =	simm.s32 $0x1E8  }
0x4b: {  	[spmem:s5] =	stream.indirect_vreg.scatter.add.s32 [tilespmem:s25], [sflag:$0x1], $0x1, v0, vm0, $0x4038;
	[tilespmem:$0x408] =	vst v63  }
0x4c: {  	v0 =	vld.msk [tilespmem:s26+$0x0 ss:$0x1], $0xffff;
	_ =	sdelay $0x4  }
0x4d: {  	v0 =	vmin.u32 v0, $0x80;
	_ =	sdelay $0x3  }
0x4e: {  	s28 =	simm.s32 $0x3E8;
	s29 =	simm.s32 $0x1F8  }
0x4f: {  	[spmem:s5] =	stream.indirect_vreg.scatter.add.s32 [tilespmem:s28], [sflag:$0x1], $0x1, v0, vm0, $0x4038;
	[tilespmem:$0x408] =	vst v63  }
0x50: {  	v0 =	vld.msk [tilespmem:s29+$0x0 ss:$0x1], $0xffff;
	_ =	sdelay $0x4  }
0x51: {  	v0 =	vmin.u32 v0, $0x80;
	_ =	sdelay $0x3  }
0x52: {  	s30 =	simm.s32 $0x3F8  }
0x53: {  	[spmem:s5] =	stream.indirect_vreg.scatter.add.s32 [tilespmem:s30], [sflag:$0x1], $0x1, v0, vm0, $0x4038;
	[tilespmem:$0x408] =	vst v63  }
0x54: {  	_ =	swait.ge [sflag:s3], $0x100  }
0x55: {  	[sflag:s3] =	ssyncset.done $0x0  }
0x56: {  	[sflag:s3] =	ssyncadd.s32 $0xFFFFFF00  }
0x57: {  	_ =	sfence.sel $0x180000  }
0x58: {  	[bflag:$0x0] =	sbarrier.arrive $0xFFFF  }
0x59: {  	[sflag:s4] =	ssyncpa.u1 $0x1  }
0x5a: {  	[sflag:s3] =	ssyncpa.u1 $0x1  }
0x5b: {  	_ =	sfence.stream.spmem  }
0x5c: {  	s31 =	simm.s32 $0x3D;
	[bflag:$0x0] =	sbarrier.arrive $0xFFFF  }
0x5d: {  	s3 =	simm.s32 @p0 $0x3D;
	[sflag:s31] =	ssyncpa.u1 $0x0  }
0x5e: {  	[sflag:s3] =	ssyncpa.u1 @p0 $0x1  }
0x5f: {  	[bflag:$0x0] =	sbarrier.arrive @p0 $0xFFFF  }
0x60: {  	_ =	strace @p0 $0x90000047  }
0x61: {  	s3 =	simm.s32 @!p0 $0x1C3D;
	[bflag:$0x2] =	sbarrier.arrive @p0 $0xFFFF  }
0x62: {  	[hbm:s1], [sflag:s3] =	dma.local @!p0 [spmem:s2], $0x10  }
0x63: {  	s1 =	simm.s32 @!p0 $0x3D  }
0x64: {  	_ =	swait.ge @!p0 [sflag:s1], $0x10  }
0x65: {  	[sflag:s1] =	ssyncset.done @!p0 $0x0  }
0x66: {  	[sflag:s1] =	ssyncadd.s32 @!p0 $0xFFFFFFF0  }
0x67: {  	[sflag:s1] =	ssyncpa.u1 @!p0 $0x1  }
0x68: {  	[bflag:$0x0] =	sbarrier.arrive @!p0 $0xFFFF  }
0x69: {  	_ =	strace @!p0 $0x90000047  }
0x6a: {  	s0 =	sadd.s32 @!p0 $0x100000, s0;
	[bflag:$0x2] =	sbarrier.arrive @!p0 $0xFFFF  }
0x6b: {  	[sflag:s0] =	ssyncadd.tile.s32 @!p0 $0x1;
	_ =	shalt  }
.Lfunc_end2:
_tile_overlayer_lowered:
.L_overlay_start_2:
0x6c: {  	(tag) =	ssettag $0x2  }
0x6d: {  	s0 =	rddreg [dreg:$0x0];
	s2 =	stileid.u32  }
0x6e: {  	s1 =	rddreg [dreg:$0x1];
	p0 =	sne.s32 s2, $0x0  }
0x6f: {  	s3 =	rddreg [dreg:$0x2];
	[bflag:$0x3] =	sbarrier.arrive $0xFFFF;
	s2 =	simm.s32 @!p0 $0x1C01  }
0x70: {  	[timem:s3], [sflag:s2] =	dma.local @!p0 [hbm:s0], s1  }
0x71: {  	s0 =	simm.s32 @!p0 $0x1  }
0x72: {  	_ =	swait.ge @!p0 [sflag:s0], s1  }
0x73: {  	s1 =	ssub.s32 @!p0 $0x0, s1;
	[sflag:s0] =	ssyncset.done @!p0 $0x0  }
0x74: {  	[sflag:s0] =	ssyncadd.s32 @!p0 s1  }
0x75: {  	[bflag:$0x3] =	sbarrier.arrive $0xFFFF  }
0x76: {  	_ =	shalt  }

</sc_bundles>
